<compile_context>
chip_gen: v7x
topology: tpu7x:2x2x1
jax: 0.10.2.dev20260603
libtpu: 0.0.44.dev20260713+nightly
codegen_flags: <defaults>
</compile_context>

<pallas_src>
import jax
import jax.numpy as jnp
from jax import lax
from jax.experimental import pallas as pl
from jax.experimental.pallas import tpu as pltpu
from jax.experimental.pallas import tpu_sc as plsc

NC = 2
NS = 16
NW = NC * NS
B = 16384
PER_W = B // NW
CHUNK = 128
NCHUNK = PER_W // CHUNK
L = 16


def _gather_body(table_hbm, idx_hbm, bias_hbm, out_hbm,
                 idx_v, rows_v, bias_v, sem, osem):
    cid = lax.axis_index("c")
    sid = lax.axis_index("s")
    wid = sid * NC + cid
    tab1d = table_hbm.at[0]
    idx_cp = pltpu.async_copy(idx_hbm.at[wid], idx_v, osem)
    bias_cp = pltpu.async_copy(bias_hbm, bias_v, osem)
    idx_cp.wait()
    copies = [
        pltpu.async_copy(tab1d.at[idx_v.at[j]], rows_v.at[j], sem)
        for j in range(NCHUNK)
    ]
    bias_cp.wait()
    bv = bias_v[...]
    outs = []
    for j in range(NCHUNK):
        copies[j].wait()
        for i in range(CHUNK // L):
            sl = pl.ds(i * L, L)
            rows_v[j, sl] = rows_v[j, sl] + bv
        outs.append(pltpu.async_copy(rows_v.at[j],
                                     out_hbm.at[wid * NCHUNK + j], osem))
    for o in outs:
        o.wait()


def kernel(inputs, categ_bias, output_layer_bias, moving_mean, moving_norm):
    idx = inputs[:, 0].astype(jnp.int32).reshape(NW, NCHUNK, CHUNK)
    table = jnp.swapaxes(categ_bias, 0, 1)
    bias16 = jnp.broadcast_to(output_layer_bias.reshape(1), (L,))
    run = pl.kernel(
        _gather_body,
        out_type=jax.ShapeDtypeStruct((NW * NCHUNK, CHUNK), jnp.float32),
        mesh=plsc.VectorSubcoreMesh(core_axis_name="c", subcore_axis_name="s"),
        scratch_types=[
            pltpu.VMEM((NCHUNK, CHUNK), jnp.int32),
            pltpu.VMEM((NCHUNK, CHUNK), jnp.float32),
            pltpu.VMEM((L,), jnp.float32),
            pltpu.SemaphoreType.DMA,
            pltpu.SemaphoreType.DMA,
        ],
    )
    out = run(table, idx, bias16)
    return out.reshape(B, 1)

# --- scband reference (transcript-rebuilt; emitter-appended) ---
"""Pipeline reference for scband-categ-net-76252849373490 (READ-ONLY COPY).

The authoritative reference and input builder live on the scoring server;
editing this copy changes nothing except your own understanding.
"""

import jax, jax.numpy as jnp
import numpy as np

CATEGORY_NUM = 1000000
BATCH = 16384

def setup_inputs(seed: int = 0) -> dict:
    key = jax.random.key(seed)
    k1, k2 = jax.random.split(key)
    inputs = jax.random.randint(k1, (BATCH, 1), 0, CATEGORY_NUM, dtype=jnp.int64 if jax.config.jax_enable_x64 else jnp.int32)
    # Learned / stateful parameters per __init__
    categ_bias = jax.random.normal(k2, (CATEGORY_NUM, 1), dtype=jnp.float32) * 0.02  # trainable (zeros init in module; randomized for a nontrivial run)
    output_layer_bias = jnp.zeros((1, 1), dtype=jnp.float32)  # non-trainable
    moving_mean = jnp.zeros((1,), dtype=jnp.float32)
    moving_norm = jnp.ones((1,), dtype=jnp.float32)
    return {
        "inputs": inputs,
        "categ_bias": categ_bias,
        "output_layer_bias": output_layer_bias,
        "moving_mean": moving_mean,
        "moving_norm": moving_norm,
    }

def reference(inputs, categ_bias, output_layer_bias, moving_mean, moving_norm):
    # one_hot(idx, depth) @ categ_bias is exactly a row-gather from categ_bias.
    idx = inputs[:, 0].astype(jnp.int32)
    output_original = jnp.take(categ_bias, idx, axis=0) + output_layer_bias  # [B, 1]
    # Inference path (training=False): subnet_mean/norm come from moving stats,
    # which do not alter the returned output.
    output = output_original
    return output

if __name__ == "__main__":
    import jax
    _d = setup_inputs()
    print(jax.jit(kernel)(*tuple(_d.values())))

</pallas_src>

<mosaic_0001>
#map = affine_map<(d0, d1) -> (0, 0)>
#map1 = affine_map<(d0, d1) -> (0, 0, 0)>
#map2 = affine_map<(d0, d1) -> (0)>
module attributes {stable_mosaic.version = 14 : i64} {
  func.func @_gather_body(%arg0: i32, %arg1: i32, %arg2: memref<1x1000000xf32, #tpu.memory_space<hbm>>, %arg3: memref<32x4x128xi32, #tpu.memory_space<hbm>>, %arg4: memref<16xf32, #tpu.memory_space<hbm>>, %arg5: memref<128x128xf32, #tpu.memory_space<hbm>>, %arg6: memref<4x128xi32, #tpu.memory_space<vmem>>, %arg7: memref<4x128xf32, #tpu.memory_space<vmem>>, %arg8: memref<16xf32, #tpu.memory_space<vmem>>, %arg9: memref<!tpu.dma_semaphore, #tpu.memory_space<semaphore_mem>>, %arg10: memref<!tpu.dma_semaphore, #tpu.memory_space<semaphore_mem>>) attributes {dimension_semantics = [#tpu.dimension_semantics<core_parallel>, #tpu.dimension_semantics<subcore_parallel>], iteration_bounds = array<i64: 2, 16>, scalar_prefetch = 0 : i64, scratch_operands = 5 : i64, tpu.core_type = #tpu.core_type<sc_vector_subcore>, window_params = [{transform_indices = #map}, {transform_indices = #map1}, {transform_indices = #map2}, {transform_indices = #map}]} {
    %mul3A = arith.constant 2 : i32
    %mul3A_0 = arith.muli %arg1, %mul3A : i32
    %add3A = arith.addi %mul3A_0, %arg0 : i32
    %dma_start3A = arith.constant 0 : i32
    %dma_start3A_1 = arith.constant 0 : i32
    %dma_start3A_2 = tpu.memref_slice %arg3[%add3A, %dma_start3A, %dma_start3A_1] : memref<32x4x128xi32, #tpu.memory_space<hbm>> -> memref<1x4x128xi32, #tpu.memory_space<hbm>>
    %dma_start3A_3 = tpu.memref_squeeze %dma_start3A_2 : memref<1x4x128xi32, #tpu.memory_space<hbm>> -> memref<4x128xi32, #tpu.memory_space<hbm>>
    %dma_start3A_4 = arith.constant 0 : i32
    %dma_start3A_5 = arith.constant 0 : i32
    %dma_start3A_6 = tpu.memref_slice %arg3[%add3A, %dma_start3A_4, %dma_start3A_5] : memref<32x4x128xi32, #tpu.memory_space<hbm>> -> memref<1x4x128xi32, #tpu.memory_space<hbm>>
    %dma_start3A_7 = tpu.memref_squeeze %dma_start3A_6 : memref<1x4x128xi32, #tpu.memory_space<hbm>> -> memref<4x128xi32, #tpu.memory_space<hbm>>
    tpu.enqueue_dma source(%dma_start3A_7 : memref<4x128xi32, #tpu.memory_space<hbm>>) target(%arg6 : memref<4x128xi32, #tpu.memory_space<vmem>>) target_semaphore(%arg10 : memref<!tpu.dma_semaphore, #tpu.memory_space<semaphore_mem>>)
    tpu.enqueue_dma source(%arg4 : memref<16xf32, #tpu.memory_space<hbm>>) target(%arg8 : memref<16xf32, #tpu.memory_space<vmem>>) target_semaphore(%arg10 : memref<!tpu.dma_semaphore, #tpu.memory_space<semaphore_mem>>)
    %dma_wait3A = arith.constant 0 : i32
    %dma_wait3A_8 = arith.constant 0 : i32
    %dma_wait3A_9 = tpu.memref_slice %arg3[%add3A, %dma_wait3A, %dma_wait3A_8] : memref<32x4x128xi32, #tpu.memory_space<hbm>> -> memref<1x4x128xi32, #tpu.memory_space<hbm>>
    %dma_wait3A_10 = tpu.memref_squeeze %dma_wait3A_9 : memref<1x4x128xi32, #tpu.memory_space<hbm>> -> memref<4x128xi32, #tpu.memory_space<hbm>>
    %dma_wait3A_11 = arith.constant 0 : i32
    %dma_wait3A_12 = arith.constant 0 : i32
    %dma_wait3A_13 = tpu.memref_slice %arg3[%add3A, %dma_wait3A_11, %dma_wait3A_12] : memref<32x4x128xi32, #tpu.memory_space<hbm>> -> memref<1x4x128xi32, #tpu.memory_space<hbm>>
    %dma_wait3A_14 = tpu.memref_squeeze %dma_wait3A_13 : memref<1x4x128xi32, #tpu.memory_space<hbm>> -> memref<4x128xi32, #tpu.memory_space<hbm>>
    tpu.wait_dma2 semaphore(%arg10 : memref<!tpu.dma_semaphore, #tpu.memory_space<semaphore_mem>>) src(%dma_wait3A_14 : memref<4x128xi32, #tpu.memory_space<hbm>>) dst(%arg6 : memref<4x128xi32, #tpu.memory_space<vmem>>)
    %dma_start3A_15 = arith.constant 0 : i32
    %dma_start3A_16 = arith.constant 0 : i32
    %dma_start3A_17 = arith.constant 0 : i32
    %dma_start3A_18 = arith.constant 0 : i32
    %dma_start3A_19 = tpu.memref_slice %arg7[%dma_start3A_17, %dma_start3A_18] : memref<4x128xf32, #tpu.memory_space<vmem>> -> memref<1x128xf32, #tpu.memory_space<vmem>>
    %dma_start3A_20 = tpu.memref_squeeze %dma_start3A_19 : memref<1x128xf32, #tpu.memory_space<vmem>> -> memref<128xf32, #tpu.memory_space<vmem>>
    %dma_start3A_21 = arith.constant 0 : i32
    %dma_start3A_22 = tpu.memref_slice %arg6[%dma_start3A_16, %dma_start3A_21] : memref<4x128xi32, #tpu.memory_space<vmem>> -> memref<1x128xi32, #tpu.memory_space<vmem>>
    %dma_start3A_23 = tpu.memref_squeeze %dma_start3A_22 : memref<1x128xi32, #tpu.memory_space<vmem>> -> memref<128xi32, #tpu.memory_space<vmem>>
    %dma_start3A_24 = arith.constant 0 : i32
    %dma_start3A_25 = tpu.memref_slice %arg2[%dma_start3A_15, %dma_start3A_24] : memref<1x1000000xf32, #tpu.memory_space<hbm>> -> memref<1x1000000xf32, #tpu.memory_space<hbm>>
    %dma_start3A_26 = tpu.memref_squeeze %dma_start3A_25 : memref<1x1000000xf32, #tpu.memory_space<hbm>> -> memref<1000000xf32, #tpu.memory_space<hbm>>
    %dma_start3A_27 = arith.constant 0 : i32
    %dma_start3A_28 = tpu.memref_slice %dma_start3A_26[%dma_start3A_27] : memref<1000000xf32, #tpu.memory_space<hbm>> -> memref<1000000xf32, #tpu.memory_space<hbm>>
    tpu.enqueue_indirect_dma source(%dma_start3A_28 : memref<1000000xf32, #tpu.memory_space<hbm>>) target(%dma_start3A_20 : memref<128xf32, #tpu.memory_space<vmem>>) offsets(%dma_start3A_23 : memref<128xi32, #tpu.memory_space<vmem>>) semaphore(%arg9 : memref<!tpu.dma_semaphore, #tpu.memory_space<semaphore_mem>>)
    %dma_start3A_29 = arith.constant 0 : i32
    %dma_start3A_30 = arith.constant 1 : i32
    %dma_start3A_31 = arith.constant 1 : i32
    %dma_start3A_32 = arith.constant 0 : i32
    %dma_start3A_33 = tpu.memref_slice %arg7[%dma_start3A_31, %dma_start3A_32] : memref<4x128xf32, #tpu.memory_space<vmem>> -> memref<1x128xf32, #tpu.memory_space<vmem>>
    %dma_start3A_34 = tpu.memref_squeeze %dma_start3A_33 : memref<1x128xf32, #tpu.memory_space<vmem>> -> memref<128xf32, #tpu.memory_space<vmem>>
    %dma_start3A_35 = arith.constant 0 : i32
    %dma_start3A_36 = tpu.memref_slice %arg6[%dma_start3A_30, %dma_start3A_35] : memref<4x128xi32, #tpu.memory_space<vmem>> -> memref<1x128xi32, #tpu.memory_space<vmem>>
    %dma_start3A_37 = tpu.memref_squeeze %dma_start3A_36 : memref<1x128xi32, #tpu.memory_space<vmem>> -> memref<128xi32, #tpu.memory_space<vmem>>
    %dma_start3A_38 = arith.constant 0 : i32
    %dma_start3A_39 = tpu.memref_slice %arg2[%dma_start3A_29, %dma_start3A_38] : memref<1x1000000xf32, #tpu.memory_space<hbm>> -> memref<1x1000000xf32, #tpu.memory_space<hbm>>
    %dma_start3A_40 = tpu.memref_squeeze %dma_start3A_39 : memref<1x1000000xf32, #tpu.memory_space<hbm>> -> memref<1000000xf32, #tpu.memory_space<hbm>>
    %dma_start3A_41 = arith.constant 0 : i32
    %dma_start3A_42 = tpu.memref_slice %dma_start3A_40[%dma_start3A_41] : memref<1000000xf32, #tpu.memory_space<hbm>> -> memref<1000000xf32, #tpu.memory_space<hbm>>
    tpu.enqueue_indirect_dma source(%dma_start3A_42 : memref<1000000xf32, #tpu.memory_space<hbm>>) target(%dma_start3A_34 : memref<128xf32, #tpu.memory_space<vmem>>) offsets(%dma_start3A_37 : memref<128xi32, #tpu.memory_space<vmem>>) semaphore(%arg9 : memref<!tpu.dma_semaphore, #tpu.memory_space<semaphore_mem>>)
    %dma_start3A_43 = arith.constant 0 : i32
    %dma_start3A_44 = arith.constant 2 : i32
    %dma_start3A_45 = arith.constant 2 : i32
    %dma_start3A_46 = arith.constant 0 : i32
    %dma_start3A_47 = tpu.memref_slice %arg7[%dma_start3A_45, %dma_start3A_46] : memref<4x128xf32, #tpu.memory_space<vmem>> -> memref<1x128xf32, #tpu.memory_space<vmem>>
    %dma_start3A_48 = tpu.memref_squeeze %dma_start3A_47 : memref<1x128xf32, #tpu.memory_space<vmem>> -> memref<128xf32, #tpu.memory_space<vmem>>
    %dma_start3A_49 = arith.constant 0 : i32
    %dma_start3A_50 = tpu.memref_slice %arg6[%dma_start3A_44, %dma_start3A_49] : memref<4x128xi32, #tpu.memory_space<vmem>> -> memref<1x128xi32, #tpu.memory_space<vmem>>
    %dma_start3A_51 = tpu.memref_squeeze %dma_start3A_50 : memref<1x128xi32, #tpu.memory_space<vmem>> -> memref<128xi32, #tpu.memory_space<vmem>>
    %dma_start3A_52 = arith.constant 0 : i32
    %dma_start3A_53 = tpu.memref_slice %arg2[%dma_start3A_43, %dma_start3A_52] : memref<1x1000000xf32, #tpu.memory_space<hbm>> -> memref<1x1000000xf32, #tpu.memory_space<hbm>>
    %dma_start3A_54 = tpu.memref_squeeze %dma_start3A_53 : memref<1x1000000xf32, #tpu.memory_space<hbm>> -> memref<1000000xf32, #tpu.memory_space<hbm>>
    %dma_start3A_55 = arith.constant 0 : i32
    %dma_start3A_56 = tpu.memref_slice %dma_start3A_54[%dma_start3A_55] : memref<1000000xf32, #tpu.memory_space<hbm>> -> memref<1000000xf32, #tpu.memory_space<hbm>>
    tpu.enqueue_indirect_dma source(%dma_start3A_56 : memref<1000000xf32, #tpu.memory_space<hbm>>) target(%dma_start3A_48 : memref<128xf32, #tpu.memory_space<vmem>>) offsets(%dma_start3A_51 : memref<128xi32, #tpu.memory_space<vmem>>) semaphore(%arg9 : memref<!tpu.dma_semaphore, #tpu.memory_space<semaphore_mem>>)
    %dma_start3A_57 = arith.constant 0 : i32
    %dma_start3A_58 = arith.constant 3 : i32
    %dma_start3A_59 = arith.constant 3 : i32
    %dma_start3A_60 = arith.constant 0 : i32
    %dma_start3A_61 = tpu.memref_slice %arg7[%dma_start3A_59, %dma_start3A_60] : memref<4x128xf32, #tpu.memory_space<vmem>> -> memref<1x128xf32, #tpu.memory_space<vmem>>
    %dma_start3A_62 = tpu.memref_squeeze %dma_start3A_61 : memref<1x128xf32, #tpu.memory_space<vmem>> -> memref<128xf32, #tpu.memory_space<vmem>>
    %dma_start3A_63 = arith.constant 0 : i32
    %dma_start3A_64 = tpu.memref_slice %arg6[%dma_start3A_58, %dma_start3A_63] : memref<4x128xi32, #tpu.memory_space<vmem>> -> memref<1x128xi32, #tpu.memory_space<vmem>>
    %dma_start3A_65 = tpu.memref_squeeze %dma_start3A_64 : memref<1x128xi32, #tpu.memory_space<vmem>> -> memref<128xi32, #tpu.memory_space<vmem>>
    %dma_start3A_66 = arith.constant 0 : i32
    %dma_start3A_67 = tpu.memref_slice %arg2[%dma_start3A_57, %dma_start3A_66] : memref<1x1000000xf32, #tpu.memory_space<hbm>> -> memref<1x1000000xf32, #tpu.memory_space<hbm>>
    %dma_start3A_68 = tpu.memref_squeeze %dma_start3A_67 : memref<1x1000000xf32, #tpu.memory_space<hbm>> -> memref<1000000xf32, #tpu.memory_space<hbm>>
    %dma_start3A_69 = arith.constant 0 : i32
    %dma_start3A_70 = tpu.memref_slice %dma_start3A_68[%dma_start3A_69] : memref<1000000xf32, #tpu.memory_space<hbm>> -> memref<1000000xf32, #tpu.memory_space<hbm>>
    tpu.enqueue_indirect_dma source(%dma_start3A_70 : memref<1000000xf32, #tpu.memory_space<hbm>>) target(%dma_start3A_62 : memref<128xf32, #tpu.memory_space<vmem>>) offsets(%dma_start3A_65 : memref<128xi32, #tpu.memory_space<vmem>>) semaphore(%arg9 : memref<!tpu.dma_semaphore, #tpu.memory_space<semaphore_mem>>)
    tpu.wait_dma2 semaphore(%arg10 : memref<!tpu.dma_semaphore, #tpu.memory_space<semaphore_mem>>) src(%arg4 : memref<16xf32, #tpu.memory_space<hbm>>) dst(%arg8 : memref<16xf32, #tpu.memory_space<vmem>>)
    %get3A = arith.constant 0 : index
    %get3A_71 = tpu.vector_load %arg8[%get3A] {strides = array<i32>} : memref<16xf32, #tpu.memory_space<vmem>>, vector<16xf32>,
    %get3A_72 = vector.shape_cast %get3A_71 : vector<16xf32> to vector<16xf32>
    %dma_wait3A_73 = arith.constant 0 : i32
    %dma_wait3A_74 = arith.constant 0 : i32
    %dma_wait3A_75 = arith.constant 0 : i32
    %dma_wait3A_76 = arith.constant 0 : i32
    %dma_wait3A_77 = tpu.memref_slice %arg7[%dma_wait3A_75, %dma_wait3A_76] : memref<4x128xf32, #tpu.memory_space<vmem>> -> memref<1x128xf32, #tpu.memory_space<vmem>>
    %dma_wait3A_78 = tpu.memref_squeeze %dma_wait3A_77 : memref<1x128xf32, #tpu.memory_space<vmem>> -> memref<128xf32, #tpu.memory_space<vmem>>
    %dma_wait3A_79 = arith.constant 0 : i32
    %dma_wait3A_80 = tpu.memref_slice %arg6[%dma_wait3A_74, %dma_wait3A_79] : memref<4x128xi32, #tpu.memory_space<vmem>> -> memref<1x128xi32, #tpu.memory_space<vmem>>
    %dma_wait3A_81 = tpu.memref_squeeze %dma_wait3A_80 : memref<1x128xi32, #tpu.memory_space<vmem>> -> memref<128xi32, #tpu.memory_space<vmem>>
    %dma_wait3A_82 = arith.constant 0 : i32
    %dma_wait3A_83 = tpu.memref_slice %arg2[%dma_wait3A_73, %dma_wait3A_82] : memref<1x1000000xf32, #tpu.memory_space<hbm>> -> memref<1x1000000xf32, #tpu.memory_space<hbm>>
    %dma_wait3A_84 = tpu.memref_squeeze %dma_wait3A_83 : memref<1x1000000xf32, #tpu.memory_space<hbm>> -> memref<1000000xf32, #tpu.memory_space<hbm>>
    %dma_wait3A_85 = arith.constant 0 : i32
    %dma_wait3A_86 = tpu.memref_slice %dma_wait3A_84[%dma_wait3A_85] : memref<1000000xf32, #tpu.memory_space<hbm>> -> memref<1000000xf32, #tpu.memory_space<hbm>>
    tpu.wait_indirect_dma semaphore(%arg9 : memref<!tpu.dma_semaphore, #tpu.memory_space<semaphore_mem>>) src(%dma_wait3A_86 : memref<1000000xf32, #tpu.memory_space<hbm>>) dst(%dma_wait3A_78 : memref<128xf32, #tpu.memory_space<vmem>>)
    %get3A_87 = arith.constant 0 : i32
    %get3A_88 = arith.index_cast %get3A_87 : i32 to index
    %get3A_89 = arith.constant 0 : index
    %get3A_90 = tpu.vector_load %arg7[%get3A_88, %get3A_89] {strides = array<i32>} : memref<4x128xf32, #tpu.memory_space<vmem>>, vector<1x16xf32>,
    %get3A_91 = vector.shape_cast %get3A_90 : vector<1x16xf32> to vector<16xf32>
    %add3A_92 = arith.addf %get3A_91, %get3A_72 : vector<16xf32>
    %swap3A = arith.constant 0 : i32
    %swap3A_93 = arith.index_cast %swap3A : i32 to index
    %swap3A_94 = arith.constant 0 : index
    %swap3A_95 = tpu.vector_load %arg7[%swap3A_93, %swap3A_94] {strides = array<i32>} : memref<4x128xf32, #tpu.memory_space<vmem>>, vector<1x16xf32>,
    %swap3A_96 = vector.shape_cast %swap3A_95 : vector<1x16xf32> to vector<16xf32>
    %swap3A_97 = vector.shape_cast %add3A_92 : vector<16xf32> to vector<1x16xf32>
    tpu.vector_store %arg7[%swap3A_93, %swap3A_94], %swap3A_97 {strides = array<i32>} : memref<4x128xf32, #tpu.memory_space<vmem>>, vector<1x16xf32>,
    %get3A_98 = arith.constant 0 : i32
    %get3A_99 = arith.index_cast %get3A_98 : i32 to index
    %get3A_100 = arith.constant 16 : index
    %get3A_101 = tpu.vector_load %arg7[%get3A_99, %get3A_100] {strides = array<i32>} : memref<4x128xf32, #tpu.memory_space<vmem>>, vector<1x16xf32>,
    %get3A_102 = vector.shape_cast %get3A_101 : vector<1x16xf32> to vector<16xf32>
    %add3A_103 = arith.addf %get3A_102, %get3A_72 : vector<16xf32>
    %swap3A_104 = arith.constant 0 : i32
    %swap3A_105 = arith.index_cast %swap3A_104 : i32 to index
    %swap3A_106 = arith.constant 16 : index
    %swap3A_107 = tpu.vector_load %arg7[%swap3A_105, %swap3A_106] {strides = array<i32>} : memref<4x128xf32, #tpu.memory_space<vmem>>, vector<1x16xf32>,
    %swap3A_108 = vector.shape_cast %swap3A_107 : vector<1x16xf32> to vector<16xf32>
    %swap3A_109 = vector.shape_cast %add3A_103 : vector<16xf32> to vector<1x16xf32>
    tpu.vector_store %arg7[%swap3A_105, %swap3A_106], %swap3A_109 {strides = array<i32>} : memref<4x128xf32, #tpu.memory_space<vmem>>, vector<1x16xf32>,
    %get3A_110 = arith.constant 0 : i32
    %get3A_111 = arith.index_cast %get3A_110 : i32 to index
    %get3A_112 = arith.constant 32 : index
    %get3A_113 = tpu.vector_load %arg7[%get3A_111, %get3A_112] {strides = array<i32>} : memref<4x128xf32, #tpu.memory_space<vmem>>, vector<1x16xf32>,
    %get3A_114 = vector.shape_cast %get3A_113 : vector<1x16xf32> to vector<16xf32>
    %add3A_115 = arith.addf %get3A_114, %get3A_72 : vector<16xf32>
    %swap3A_116 = arith.constant 0 : i32
    %swap3A_117 = arith.index_cast %swap3A_116 : i32 to index
    %swap3A_118 = arith.constant 32 : index
    %swap3A_119 = tpu.vector_load %arg7[%swap3A_117, %swap3A_118] {strides = array<i32>} : memref<4x128xf32, #tpu.memory_space<vmem>>, vector<1x16xf32>,
    %swap3A_120 = vector.shape_cast %swap3A_119 : vector<1x16xf32> to vector<16xf32>
    %swap3A_121 = vector.shape_cast %add3A_115 : vector<16xf32> to vector<1x16xf32>
    tpu.vector_store %arg7[%swap3A_117, %swap3A_118], %swap3A_121 {strides = array<i32>} : memref<4x128xf32, #tpu.memory_space<vmem>>, vector<1x16xf32>,
    %get3A_122 = arith.constant 0 : i32
    %get3A_123 = arith.index_cast %get3A_122 : i32 to index
    %get3A_124 = arith.constant 48 : index
    %get3A_125 = tpu.vector_load %arg7[%get3A_123, %get3A_124] {strides = array<i32>} : memref<4x128xf32, #tpu.memory_space<vmem>>, vector<1x16xf32>,
    %get3A_126 = vector.shape_cast %get3A_125 : vector<1x16xf32> to vector<16xf32>
    %add3A_127 = arith.addf %get3A_126, %get3A_72 : vector<16xf32>
    %swap3A_128 = arith.constant 0 : i32
    %swap3A_129 = arith.index_cast %swap3A_128 : i32 to index
    %swap3A_130 = arith.constant 48 : index
    %swap3A_131 = tpu.vector_load %arg7[%swap3A_129, %swap3A_130] {strides = array<i32>} : memref<4x128xf32, #tpu.memory_space<vmem>>, vector<1x16xf32>,
    %swap3A_132 = vector.shape_cast %swap3A_131 : vector<1x16xf32> to vector<16xf32>
    %swap3A_133 = vector.shape_cast %add3A_127 : vector<16xf32> to vector<1x16xf32>
    tpu.vector_store %arg7[%swap3A_129, %swap3A_130], %swap3A_133 {strides = array<i32>} : memref<4x128xf32, #tpu.memory_space<vmem>>, vector<1x16xf32>,
    %get3A_134 = arith.constant 0 : i32
    %get3A_135 = arith.index_cast %get3A_134 : i32 to index
    %get3A_136 = arith.constant 64 : index
    %get3A_137 = tpu.vector_load %arg7[%get3A_135, %get3A_136] {strides = array<i32>} : memref<4x128xf32, #tpu.memory_space<vmem>>, vector<1x16xf32>,
    %get3A_138 = vector.shape_cast %get3A_137 : vector<1x16xf32> to vector<16xf32>
    %add3A_139 = arith.addf %get3A_138, %get3A_72 : vector<16xf32>
    %swap3A_140 = arith.constant 0 : i32
    %swap3A_141 = arith.index_cast %swap3A_140 : i32 to index
    %swap3A_142 = arith.constant 64 : index
    %swap3A_143 = tpu.vector_load %arg7[%swap3A_141, %swap3A_142] {strides = array<i32>} : memref<4x128xf32, #tpu.memory_space<vmem>>, vector<1x16xf32>,
    %swap3A_144 = vector.shape_cast %swap3A_143 : vector<1x16xf32> to vector<16xf32>
    %swap3A_145 = vector.shape_cast %add3A_139 : vector<16xf32> to vector<1x16xf32>
    tpu.vector_store %arg7[%swap3A_141, %swap3A_142], %swap3A_145 {strides = array<i32>} : memref<4x128xf32, #tpu.memory_space<vmem>>, vector<1x16xf32>,
    %get3A_146 = arith.constant 0 : i32
    %get3A_147 = arith.index_cast %get3A_146 : i32 to index
    %get3A_148 = arith.constant 80 : index
    %get3A_149 = tpu.vector_load %arg7[%get3A_147, %get3A_148] {strides = array<i32>} : memref<4x128xf32, #tpu.memory_space<vmem>>, vector<1x16xf32>,
    %get3A_150 = vector.shape_cast %get3A_149 : vector<1x16xf32> to vector<16xf32>
    %add3A_151 = arith.addf %get3A_150, %get3A_72 : vector<16xf32>
    %swap3A_152 = arith.constant 0 : i32
    %swap3A_153 = arith.index_cast %swap3A_152 : i32 to index
    %swap3A_154 = arith.constant 80 : index
    %swap3A_155 = tpu.vector_load %arg7[%swap3A_153, %swap3A_154] {strides = array<i32>} : memref<4x128xf32, #tpu.memory_space<vmem>>, vector<1x16xf32>,
    %swap3A_156 = vector.shape_cast %swap3A_155 : vector<1x16xf32> to vector<16xf32>
    %swap3A_157 = vector.shape_cast %add3A_151 : vector<16xf32> to vector<1x16xf32>
    tpu.vector_store %arg7[%swap3A_153, %swap3A_154], %swap3A_157 {strides = array<i32>} : memref<4x128xf32, #tpu.memory_space<vmem>>, vector<1x16xf32>,
    %get3A_158 = arith.constant 0 : i32
    %get3A_159 = arith.index_cast %get3A_158 : i32 to index
    %get3A_160 = arith.constant 96 : index
    %get3A_161 = tpu.vector_load %arg7[%get3A_159, %get3A_160] {strides = array<i32>} : memref<4x128xf32, #tpu.memory_space<vmem>>, vector<1x16xf32>,
    %get3A_162 = vector.shape_cast %get3A_161 : vector<1x16xf32> to vector<16xf32>
    %add3A_163 = arith.addf %get3A_162, %get3A_72 : vector<16xf32>
    %swap3A_164 = arith.constant 0 : i32
    %swap3A_165 = arith.index_cast %swap3A_164 : i32 to index
    %swap3A_166 = arith.constant 96 : index
    %swap3A_167 = tpu.vector_load %arg7[%swap3A_165, %swap3A_166] {strides = array<i32>} : memref<4x128xf32, #tpu.memory_space<vmem>>, vector<1x16xf32>,
    %swap3A_168 = vector.shape_cast %swap3A_167 : vector<1x16xf32> to vector<16xf32>
    %swap3A_169 = vector.shape_cast %add3A_163 : vector<16xf32> to vector<1x16xf32>
    tpu.vector_store %arg7[%swap3A_165, %swap3A_166], %swap3A_169 {strides = array<i32>} : memref<4x128xf32, #tpu.memory_space<vmem>>, vector<1x16xf32>,
    %get3A_170 = arith.constant 0 : i32
    %get3A_171 = arith.index_cast %get3A_170 : i32 to index
    %get3A_172 = arith.constant 112 : index
    %get3A_173 = tpu.vector_load %arg7[%get3A_171, %get3A_172] {strides = array<i32>} : memref<4x128xf32, #tpu.memory_space<vmem>>, vector<1x16xf32>,
    %get3A_174 = vector.shape_cast %get3A_173 : vector<1x16xf32> to vector<16xf32>
    %add3A_175 = arith.addf %get3A_174, %get3A_72 : vector<16xf32>
    %swap3A_176 = arith.constant 0 : i32
    %swap3A_177 = arith.index_cast %swap3A_176 : i32 to index
    %swap3A_178 = arith.constant 112 : index
    %swap3A_179 = tpu.vector_load %arg7[%swap3A_177, %swap3A_178] {strides = array<i32>} : memref<4x128xf32, #tpu.memory_space<vmem>>, vector<1x16xf32>,
    %swap3A_180 = vector.shape_cast %swap3A_179 : vector<1x16xf32> to vector<16xf32>
    %swap3A_181 = vector.shape_cast %add3A_175 : vector<16xf32> to vector<1x16xf32>
    tpu.vector_store %arg7[%swap3A_177, %swap3A_178], %swap3A_181 {strides = array<i32>} : memref<4x128xf32, #tpu.memory_space<vmem>>, vector<1x16xf32>,
    %mul3A_182 = arith.constant 4 : i32
    %mul3A_183 = arith.muli %add3A, %mul3A_182 : i32
    %add3A_184 = arith.constant 0 : i32
    %add3A_185 = arith.addi %mul3A_183, %add3A_184 : i32
    %dma_start3A_186 = arith.constant 0 : i32
    %dma_start3A_187 = arith.constant 0 : i32
    %dma_start3A_188 = tpu.memref_slice %arg7[%dma_start3A_186, %dma_start3A_187] : memref<4x128xf32, #tpu.memory_space<vmem>> -> memref<1x128xf32, #tpu.memory_space<vmem>>
    %dma_start3A_189 = tpu.memref_squeeze %dma_start3A_188 : memref<1x128xf32, #tpu.memory_space<vmem>> -> memref<128xf32, #tpu.memory_space<vmem>>
    %dma_start3A_190 = arith.constant 0 : i32
    %dma_start3A_191 = tpu.memref_slice %arg5[%add3A_185, %dma_start3A_190] : memref<128x128xf32, #tpu.memory_space<hbm>> -> memref<1x128xf32, #tpu.memory_space<hbm>>
    %dma_start3A_192 = tpu.memref_squeeze %dma_start3A_191 : memref<1x128xf32, #tpu.memory_space<hbm>> -> memref<128xf32, #tpu.memory_space<hbm>>
    %dma_start3A_193 = arith.constant 0 : i32
    %dma_start3A_194 = tpu.memref_slice %arg5[%add3A_185, %dma_start3A_193] : memref<128x128xf32, #tpu.memory_space<hbm>> -> memref<1x128xf32, #tpu.memory_space<hbm>>
    %dma_start3A_195 = tpu.memref_squeeze %dma_start3A_194 : memref<1x128xf32, #tpu.memory_space<hbm>> -> memref<128xf32, #tpu.memory_space<hbm>>
    %dma_start3A_196 = arith.constant 0 : i32
    %dma_start3A_197 = tpu.memref_slice %arg7[%dma_start3A_186, %dma_start3A_196] : memref<4x128xf32, #tpu.memory_space<vmem>> -> memref<1x128xf32, #tpu.memory_space<vmem>>
    %dma_start3A_198 = tpu.memref_squeeze %dma_start3A_197 : memref<1x128xf32, #tpu.memory_space<vmem>> -> memref<128xf32, #tpu.memory_space<vmem>>
    tpu.enqueue_dma source(%dma_start3A_198 : memref<128xf32, #tpu.memory_space<vmem>>) target(%dma_start3A_195 : memref<128xf32, #tpu.memory_space<hbm>>) target_semaphore(%arg10 : memref<!tpu.dma_semaphore, #tpu.memory_space<semaphore_mem>>)
    %dma_wait3A_199 = arith.constant 0 : i32
    %dma_wait3A_200 = arith.constant 1 : i32
    %dma_wait3A_201 = arith.constant 1 : i32
    %dma_wait3A_202 = arith.constant 0 : i32
    %dma_wait3A_203 = tpu.memref_slice %arg7[%dma_wait3A_201, %dma_wait3A_202] : memref<4x128xf32, #tpu.memory_space<vmem>> -> memref<1x128xf32, #tpu.memory_space<vmem>>
    %dma_wait3A_204 = tpu.memref_squeeze %dma_wait3A_203 : memref<1x128xf32, #tpu.memory_space<vmem>> -> memref<128xf32, #tpu.memory_space<vmem>>
    %dma_wait3A_205 = arith.constant 0 : i32
    %dma_wait3A_206 = tpu.memref_slice %arg6[%dma_wait3A_200, %dma_wait3A_205] : memref<4x128xi32, #tpu.memory_space<vmem>> -> memref<1x128xi32, #tpu.memory_space<vmem>>
    %dma_wait3A_207 = tpu.memref_squeeze %dma_wait3A_206 : memref<1x128xi32, #tpu.memory_space<vmem>> -> memref<128xi32, #tpu.memory_space<vmem>>
    %dma_wait3A_208 = arith.constant 0 : i32
    %dma_wait3A_209 = tpu.memref_slice %arg2[%dma_wait3A_199, %dma_wait3A_208] : memref<1x1000000xf32, #tpu.memory_space<hbm>> -> memref<1x1000000xf32, #tpu.memory_space<hbm>>
    %dma_wait3A_210 = tpu.memref_squeeze %dma_wait3A_209 : memref<1x1000000xf32, #tpu.memory_space<hbm>> -> memref<1000000xf32, #tpu.memory_space<hbm>>
    %dma_wait3A_211 = arith.constant 0 : i32
    %dma_wait3A_212 = tpu.memref_slice %dma_wait3A_210[%dma_wait3A_211] : memref<1000000xf32, #tpu.memory_space<hbm>> -> memref<1000000xf32, #tpu.memory_space<hbm>>
    tpu.wait_indirect_dma semaphore(%arg9 : memref<!tpu.dma_semaphore, #tpu.memory_space<semaphore_mem>>) src(%dma_wait3A_212 : memref<1000000xf32, #tpu.memory_space<hbm>>) dst(%dma_wait3A_204 : memref<128xf32, #tpu.memory_space<vmem>>)
    %get3A_213 = arith.constant 1 : i32
    %get3A_214 = arith.index_cast %get3A_213 : i32 to index
    %get3A_215 = arith.constant 0 : index
    %get3A_216 = tpu.vector_load %arg7[%get3A_214, %get3A_215] {strides = array<i32>} : memref<4x128xf32, #tpu.memory_space<vmem>>, vector<1x16xf32>,
    %get3A_217 = vector.shape_cast %get3A_216 : vector<1x16xf32> to vector<16xf32>
    %add3A_218 = arith.addf %get3A_217, %get3A_72 : vector<16xf32>
    %swap3A_219 = arith.constant 1 : i32
    %swap3A_220 = arith.index_cast %swap3A_219 : i32 to index
    %swap3A_221 = arith.constant 0 : index
    %swap3A_222 = tpu.vector_load %arg7[%swap3A_220, %swap3A_221] {strides = array<i32>} : memref<4x128xf32, #tpu.memory_space<vmem>>, vector<1x16xf32>,
    %swap3A_223 = vector.shape_cast %swap3A_222 : vector<1x16xf32> to vector<16xf32>
    %swap3A_224 = vector.shape_cast %add3A_218 : vector<16xf32> to vector<1x16xf32>
    tpu.vector_store %arg7[%swap3A_220, %swap3A_221], %swap3A_224 {strides = array<i32>} : memref<4x128xf32, #tpu.memory_space<vmem>>, vector<1x16xf32>,
    %get3A_225 = arith.constant 1 : i32
    %get3A_226 = arith.index_cast %get3A_225 : i32 to index
    %get3A_227 = arith.constant 16 : index
    %get3A_228 = tpu.vector_load %arg7[%get3A_226, %get3A_227] {strides = array<i32>} : memref<4x128xf32, #tpu.memory_space<vmem>>, vector<1x16xf32>,
    %get3A_229 = vector.shape_cast %get3A_228 : vector<1x16xf32> to vector<16xf32>
    %add3A_230 = arith.addf %get3A_229, %get3A_72 : vector<16xf32>
    %swap3A_231 = arith.constant 1 : i32
    %swap3A_232 = arith.index_cast %swap3A_231 : i32 to index
    %swap3A_233 = arith.constant 16 : index
    %swap3A_234 = tpu.vector_load %arg7[%swap3A_232, %swap3A_233] {strides = array<i32>} : memref<4x128xf32, #tpu.memory_space<vmem>>, vector<1x16xf32>,
    %swap3A_235 = vector.shape_cast %swap3A_234 : vector<1x16xf32> to vector<16xf32>
    %swap3A_236 = vector.shape_cast %add3A_230 : vector<16xf32> to vector<1x16xf32>
    tpu.vector_store %arg7[%swap3A_232, %swap3A_233], %swap3A_236 {strides = array<i32>} : memref<4x128xf32, #tpu.memory_space<vmem>>, vector<1x16xf32>,
    %get3A_237 = arith.constant 1 : i32
    %get3A_238 = arith.index_cast %get3A_237 : i32 to index
    %get3A_239 = arith.constant 32 : index
    %get3A_240 = tpu.vector_load %arg7[%get3A_238, %get3A_239] {strides = array<i32>} : memref<4x128xf32, #tpu.memory_space<vmem>>, vector<1x16xf32>,
    %get3A_241 = vector.shape_cast %get3A_240 : vector<1x16xf32> to vector<16xf32>
    %add3A_242 = arith.addf %get3A_241, %get3A_72 : vector<16xf32>
    %swap3A_243 = arith.constant 1 : i32
    %swap3A_244 = arith.index_cast %swap3A_243 : i32 to index
    %swap3A_245 = arith.constant 32 : index
    %swap3A_246 = tpu.vector_load %arg7[%swap3A_244, %swap3A_245] {strides = array<i32>} : memref<4x128xf32, #tpu.memory_space<vmem>>, vector<1x16xf32>,
    %swap3A_247 = vector.shape_cast %swap3A_246 : vector<1x16xf32> to vector<16xf32>
    %swap3A_248 = vector.shape_cast %add3A_242 : vector<16xf32> to vector<1x16xf32>
    tpu.vector_store %arg7[%swap3A_244, %swap3A_245], %swap3A_248 {strides = array<i32>} : memref<4x128xf32, #tpu.memory_space<vmem>>, vector<1x16xf32>,
    %get3A_249 = arith.constant 1 : i32
    %get3A_250 = arith.index_cast %get3A_249 : i32 to index
    %get3A_251 = arith.constant 48 : index
    %get3A_252 = tpu.vector_load %arg7[%get3A_250, %get3A_251] {strides = array<i32>} : memref<4x128xf32, #tpu.memory_space<vmem>>, vector<1x16xf32>,
    %get3A_253 = vector.shape_cast %get3A_252 : vector<1x16xf32> to vector<16xf32>
    %add3A_254 = arith.addf %get3A_253, %get3A_72 : vector<16xf32>
    %swap3A_255 = arith.constant 1 : i32
    %swap3A_256 = arith.index_cast %swap3A_255 : i32 to index
    %swap3A_257 = arith.constant 48 : index
    %swap3A_258 = tpu.vector_load %arg7[%swap3A_256, %swap3A_257] {strides = array<i32>} : memref<4x128xf32, #tpu.memory_space<vmem>>, vector<1x16xf32>,
    %swap3A_259 = vector.shape_cast %swap3A_258 : vector<1x16xf32> to vector<16xf32>
    %swap3A_260 = vector.shape_cast %add3A_254 : vector<16xf32> to vector<1x16xf32>
    tpu.vector_store %arg7[%swap3A_256, %swap3A_257], %swap3A_260 {strides = array<i32>} : memref<4x128xf32, #tpu.memory_space<vmem>>, vector<1x16xf32>,
    %get3A_261 = arith.constant 1 : i32
    %get3A_262 = arith.index_cast %get3A_261 : i32 to index
    %get3A_263 = arith.constant 64 : index
    %get3A_264 = tpu.vector_load %arg7[%get3A_262, %get3A_263] {strides = array<i32>} : memref<4x128xf32, #tpu.memory_space<vmem>>, vector<1x16xf32>,
    %get3A_265 = vector.shape_cast %get3A_264 : vector<1x16xf32> to vector<16xf32>
    %add3A_266 = arith.addf %get3A_265, %get3A_72 : vector<16xf32>
    %swap3A_267 = arith.constant 1 : i32
    %swap3A_268 = arith.index_cast %swap3A_267 : i32 to index
    %swap3A_269 = arith.constant 64 : index
    %swap3A_270 = tpu.vector_load %arg7[%swap3A_268, %swap3A_269] {strides = array<i32>} : memref<4x128xf32, #tpu.memory_space<vmem>>, vector<1x16xf32>,
    %swap3A_271 = vector.shape_cast %swap3A_270 : vector<1x16xf32> to vector<16xf32>
    %swap3A_272 = vector.shape_cast %add3A_266 : vector<16xf32> to vector<1x16xf32>
    tpu.vector_store %arg7[%swap3A_268, %swap3A_269], %swap3A_272 {strides = array<i32>} : memref<4x128xf32, #tpu.memory_space<vmem>>, vector<1x16xf32>,
    %get3A_273 = arith.constant 1 : i32
    %get3A_274 = arith.index_cast %get3A_273 : i32 to index
    %get3A_275 = arith.constant 80 : index
    %get3A_276 = tpu.vector_load %arg7[%get3A_274, %get3A_275] {strides = array<i32>} : memref<4x128xf32, #tpu.memory_space<vmem>>, vector<1x16xf32>,
    %get3A_277 = vector.shape_cast %get3A_276 : vector<1x16xf32> to vector<16xf32>
    %add3A_278 = arith.addf %get3A_277, %get3A_72 : vector<16xf32>
    %swap3A_279 = arith.constant 1 : i32
    %swap3A_280 = arith.index_cast %swap3A_279 : i32 to index
    %swap3A_281 = arith.constant 80 : index
    %swap3A_282 = tpu.vector_load %arg7[%swap3A_280, %swap3A_281] {strides = array<i32>} : memref<4x128xf32, #tpu.memory_space<vmem>>, vector<1x16xf32>,
    %swap3A_283 = vector.shape_cast %swap3A_282 : vector<1x16xf32> to vector<16xf32>
    %swap3A_284 = vector.shape_cast %add3A_278 : vector<16xf32> to vector<1x16xf32>
    tpu.vector_store %arg7[%swap3A_280, %swap3A_281], %swap3A_284 {strides = array<i32>} : memref<4x128xf32, #tpu.memory_space<vmem>>, vector<1x16xf32>,
    %get3A_285 = arith.constant 1 : i32
    %get3A_286 = arith.index_cast %get3A_285 : i32 to index
    %get3A_287 = arith.constant 96 : index
    %get3A_288 = tpu.vector_load %arg7[%get3A_286, %get3A_287] {strides = array<i32>} : memref<4x128xf32, #tpu.memory_space<vmem>>, vector<1x16xf32>,
    %get3A_289 = vector.shape_cast %get3A_288 : vector<1x16xf32> to vector<16xf32>
    %add3A_290 = arith.addf %get3A_289, %get3A_72 : vector<16xf32>
    %swap3A_291 = arith.constant 1 : i32
    %swap3A_292 = arith.index_cast %swap3A_291 : i32 to index
    %swap3A_293 = arith.constant 96 : index
    %swap3A_294 = tpu.vector_load %arg7[%swap3A_292, %swap3A_293] {strides = array<i32>} : memref<4x128xf32, #tpu.memory_space<vmem>>, vector<1x16xf32>,
    %swap3A_295 = vector.shape_cast %swap3A_294 : vector<1x16xf32> to vector<16xf32>
    %swap3A_296 = vector.shape_cast %add3A_290 : vector<16xf32> to vector<1x16xf32>
    tpu.vector_store %arg7[%swap3A_292, %swap3A_293], %swap3A_296 {strides = array<i32>} : memref<4x128xf32, #tpu.memory_space<vmem>>, vector<1x16xf32>,
    %get3A_297 = arith.constant 1 : i32
    %get3A_298 = arith.index_cast %get3A_297 : i32 to index
    %get3A_299 = arith.constant 112 : index
    %get3A_300 = tpu.vector_load %arg7[%get3A_298, %get3A_299] {strides = array<i32>} : memref<4x128xf32, #tpu.memory_space<vmem>>, vector<1x16xf32>,
    %get3A_301 = vector.shape_cast %get3A_300 : vector<1x16xf32> to vector<16xf32>
    %add3A_302 = arith.addf %get3A_301, %get3A_72 : vector<16xf32>
    %swap3A_303 = arith.constant 1 : i32
    %swap3A_304 = arith.index_cast %swap3A_303 : i32 to index
    %swap3A_305 = arith.constant 112 : index
    %swap3A_306 = tpu.vector_load %arg7[%swap3A_304, %swap3A_305] {strides = array<i32>} : memref<4x128xf32, #tpu.memory_space<vmem>>, vector<1x16xf32>,
    %swap3A_307 = vector.shape_cast %swap3A_306 : vector<1x16xf32> to vector<16xf32>
    %swap3A_308 = vector.shape_cast %add3A_302 : vector<16xf32> to vector<1x16xf32>
    tpu.vector_store %arg7[%swap3A_304, %swap3A_305], %swap3A_308 {strides = array<i32>} : memref<4x128xf32, #tpu.memory_space<vmem>>, vector<1x16xf32>,
    %mul3A_309 = arith.constant 4 : i32
    %mul3A_310 = arith.muli %add3A, %mul3A_309 : i32
    %add3A_311 = arith.constant 1 : i32
    %add3A_312 = arith.addi %mul3A_310, %add3A_311 : i32
    %dma_start3A_313 = arith.constant 1 : i32
    %dma_start3A_314 = arith.constant 0 : i32
    %dma_start3A_315 = tpu.memref_slice %arg7[%dma_start3A_313, %dma_start3A_314] : memref<4x128xf32, #tpu.memory_space<vmem>> -> memref<1x128xf32, #tpu.memory_space<vmem>>
    %dma_start3A_316 = tpu.memref_squeeze %dma_start3A_315 : memref<1x128xf32, #tpu.memory_space<vmem>> -> memref<128xf32, #tpu.memory_space<vmem>>
    %dma_start3A_317 = arith.constant 0 : i32
    %dma_start3A_318 = tpu.memref_slice %arg5[%add3A_312, %dma_start3A_317] : memref<128x128xf32, #tpu.memory_space<hbm>> -> memref<1x128xf32, #tpu.memory_space<hbm>>
    %dma_start3A_319 = tpu.memref_squeeze %dma_start3A_318 : memref<1x128xf32, #tpu.memory_space<hbm>> -> memref<128xf32, #tpu.memory_space<hbm>>
    %dma_start3A_320 = arith.constant 0 : i32
    %dma_start3A_321 = tpu.memref_slice %arg5[%add3A_312, %dma_start3A_320] : memref<128x128xf32, #tpu.memory_space<hbm>> -> memref<1x128xf32, #tpu.memory_space<hbm>>
    %dma_start3A_322 = tpu.memref_squeeze %dma_start3A_321 : memref<1x128xf32, #tpu.memory_space<hbm>> -> memref<128xf32, #tpu.memory_space<hbm>>
    %dma_start3A_323 = arith.constant 0 : i32
    %dma_start3A_324 = tpu.memref_slice %arg7[%dma_start3A_313, %dma_start3A_323] : memref<4x128xf32, #tpu.memory_space<vmem>> -> memref<1x128xf32, #tpu.memory_space<vmem>>
    %dma_start3A_325 = tpu.memref_squeeze %dma_start3A_324 : memref<1x128xf32, #tpu.memory_space<vmem>> -> memref<128xf32, #tpu.memory_space<vmem>>
    tpu.enqueue_dma source(%dma_start3A_325 : memref<128xf32, #tpu.memory_space<vmem>>) target(%dma_start3A_322 : memref<128xf32, #tpu.memory_space<hbm>>) target_semaphore(%arg10 : memref<!tpu.dma_semaphore, #tpu.memory_space<semaphore_mem>>)
    %dma_wait3A_326 = arith.constant 0 : i32
    %dma_wait3A_327 = arith.constant 2 : i32
    %dma_wait3A_328 = arith.constant 2 : i32
    %dma_wait3A_329 = arith.constant 0 : i32
    %dma_wait3A_330 = tpu.memref_slice %arg7[%dma_wait3A_328, %dma_wait3A_329] : memref<4x128xf32, #tpu.memory_space<vmem>> -> memref<1x128xf32, #tpu.memory_space<vmem>>
    %dma_wait3A_331 = tpu.memref_squeeze %dma_wait3A_330 : memref<1x128xf32, #tpu.memory_space<vmem>> -> memref<128xf32, #tpu.memory_space<vmem>>
    %dma_wait3A_332 = arith.constant 0 : i32
    %dma_wait3A_333 = tpu.memref_slice %arg6[%dma_wait3A_327, %dma_wait3A_332] : memref<4x128xi32, #tpu.memory_space<vmem>> -> memref<1x128xi32, #tpu.memory_space<vmem>>
    %dma_wait3A_334 = tpu.memref_squeeze %dma_wait3A_333 : memref<1x128xi32, #tpu.memory_space<vmem>> -> memref<128xi32, #tpu.memory_space<vmem>>
    %dma_wait3A_335 = arith.constant 0 : i32
    %dma_wait3A_336 = tpu.memref_slice %arg2[%dma_wait3A_326, %dma_wait3A_335] : memref<1x1000000xf32, #tpu.memory_space<hbm>> -> memref<1x1000000xf32, #tpu.memory_space<hbm>>
    %dma_wait3A_337 = tpu.memref_squeeze %dma_wait3A_336 : memref<1x1000000xf32, #tpu.memory_space<hbm>> -> memref<1000000xf32, #tpu.memory_space<hbm>>
    %dma_wait3A_338 = arith.constant 0 : i32
    %dma_wait3A_339 = tpu.memref_slice %dma_wait3A_337[%dma_wait3A_338] : memref<1000000xf32, #tpu.memory_space<hbm>> -> memref<1000000xf32, #tpu.memory_space<hbm>>
    tpu.wait_indirect_dma semaphore(%arg9 : memref<!tpu.dma_semaphore, #tpu.memory_space<semaphore_mem>>) src(%dma_wait3A_339 : memref<1000000xf32, #tpu.memory_space<hbm>>) dst(%dma_wait3A_331 : memref<128xf32, #tpu.memory_space<vmem>>)
    %get3A_340 = arith.constant 2 : i32
    %get3A_341 = arith.index_cast %get3A_340 : i32 to index
    %get3A_342 = arith.constant 0 : index
    %get3A_343 = tpu.vector_load %arg7[%get3A_341, %get3A_342] {strides = array<i32>} : memref<4x128xf32, #tpu.memory_space<vmem>>, vector<1x16xf32>,
    %get3A_344 = vector.shape_cast %get3A_343 : vector<1x16xf32> to vector<16xf32>
    %add3A_345 = arith.addf %get3A_344, %get3A_72 : vector<16xf32>
    %swap3A_346 = arith.constant 2 : i32
    %swap3A_347 = arith.index_cast %swap3A_346 : i32 to index
    %swap3A_348 = arith.constant 0 : index
    %swap3A_349 = tpu.vector_load %arg7[%swap3A_347, %swap3A_348] {strides = array<i32>} : memref<4x128xf32, #tpu.memory_space<vmem>>, vector<1x16xf32>,
    %swap3A_350 = vector.shape_cast %swap3A_349 : vector<1x16xf32> to vector<16xf32>
    %swap3A_351 = vector.shape_cast %add3A_345 : vector<16xf32> to vector<1x16xf32>
    tpu.vector_store %arg7[%swap3A_347, %swap3A_348], %swap3A_351 {strides = array<i32>} : memref<4x128xf32, #tpu.memory_space<vmem>>, vector<1x16xf32>,
    %get3A_352 = arith.constant 2 : i32
    %get3A_353 = arith.index_cast %get3A_352 : i32 to index
    %get3A_354 = arith.constant 16 : index
    %get3A_355 = tpu.vector_load %arg7[%get3A_353, %get3A_354] {strides = array<i32>} : memref<4x128xf32, #tpu.memory_space<vmem>>, vector<1x16xf32>,
    %get3A_356 = vector.shape_cast %get3A_355 : vector<1x16xf32> to vector<16xf32>
    %add3A_357 = arith.addf %get3A_356, %get3A_72 : vector<16xf32>
    %swap3A_358 = arith.constant 2 : i32
    %swap3A_359 = arith.index_cast %swap3A_358 : i32 to index
    %swap3A_360 = arith.constant 16 : index
    %swap3A_361 = tpu.vector_load %arg7[%swap3A_359, %swap3A_360] {strides = array<i32>} : memref<4x128xf32, #tpu.memory_space<vmem>>, vector<1x16xf32>,
    %swap3A_362 = vector.shape_cast %swap3A_361 : vector<1x16xf32> to vector<16xf32>
    %swap3A_363 = vector.shape_cast %add3A_357 : vector<16xf32> to vector<1x16xf32>
    tpu.vector_store %arg7[%swap3A_359, %swap3A_360], %swap3A_363 {strides = array<i32>} : memref<4x128xf32, #tpu.memory_space<vmem>>, vector<1x16xf32>,
    %get3A_364 = arith.constant 2 : i32
    %get3A_365 = arith.index_cast %get3A_364 : i32 to index
    %get3A_366 = arith.constant 32 : index
    %get3A_367 = tpu.vector_load %arg7[%get3A_365, %get3A_366] {strides = array<i32>} : memref<4x128xf32, #tpu.memory_space<vmem>>, vector<1x16xf32>,
    %get3A_368 = vector.shape_cast %get3A_367 : vector<1x16xf32> to vector<16xf32>
    %add3A_369 = arith.addf %get3A_368, %get3A_72 : vector<16xf32>
    %swap3A_370 = arith.constant 2 : i32
    %swap3A_371 = arith.index_cast %swap3A_370 : i32 to index
    %swap3A_372 = arith.constant 32 : index
    %swap3A_373 = tpu.vector_load %arg7[%swap3A_371, %swap3A_372] {strides = array<i32>} : memref<4x128xf32, #tpu.memory_space<vmem>>, vector<1x16xf32>,
    %swap3A_374 = vector.shape_cast %swap3A_373 : vector<1x16xf32> to vector<16xf32>
    %swap3A_375 = vector.shape_cast %add3A_369 : vector<16xf32> to vector<1x16xf32>
    tpu.vector_store %arg7[%swap3A_371, %swap3A_372], %swap3A_375 {strides = array<i32>} : memref<4x128xf32, #tpu.memory_space<vmem>>, vector<1x16xf32>,
    %get3A_376 = arith.constant 2 : i32
    %get3A_377 = arith.index_cast %get3A_376 : i32 to index
    %get3A_378 = arith.constant 48 : index
    %get3A_379 = tpu.vector_load %arg7[%get3A_377, %get3A_378] {strides = array<i32>} : memref<4x128xf32, #tpu.memory_space<vmem>>, vector<1x16xf32>,
    %get3A_380 = vector.shape_cast %get3A_379 : vector<1x16xf32> to vector<16xf32>
    %add3A_381 = arith.addf %get3A_380, %get3A_72 : vector<16xf32>
    %swap3A_382 = arith.constant 2 : i32
    %swap3A_383 = arith.index_cast %swap3A_382 : i32 to index
    %swap3A_384 = arith.constant 48 : index
    %swap3A_385 = tpu.vector_load %arg7[%swap3A_383, %swap3A_384] {strides = array<i32>} : memref<4x128xf32, #tpu.memory_space<vmem>>, vector<1x16xf32>,
    %swap3A_386 = vector.shape_cast %swap3A_385 : vector<1x16xf32> to vector<16xf32>
    %swap3A_387 = vector.shape_cast %add3A_381 : vector<16xf32> to vector<1x16xf32>
    tpu.vector_store %arg7[%swap3A_383, %swap3A_384], %swap3A_387 {strides = array<i32>} : memref<4x128xf32, #tpu.memory_space<vmem>>, vector<1x16xf32>,
    %get3A_388 = arith.constant 2 : i32
    %get3A_389 = arith.index_cast %get3A_388 : i32 to index
    %get3A_390 = arith.constant 64 : index
    %get3A_391 = tpu.vector_load %arg7[%get3A_389, %get3A_390] {strides = array<i32>} : memref<4x128xf32, #tpu.memory_space<vmem>>, vector<1x16xf32>,
    %get3A_392 = vector.shape_cast %get3A_391 : vector<1x16xf32> to vector<16xf32>
    %add3A_393 = arith.addf %get3A_392, %get3A_72 : vector<16xf32>
    %swap3A_394 = arith.constant 2 : i32
    %swap3A_395 = arith.index_cast %swap3A_394 : i32 to index
    %swap3A_396 = arith.constant 64 : index
    %swap3A_397 = tpu.vector_load %arg7[%swap3A_395, %swap3A_396] {strides = array<i32>} : memref<4x128xf32, #tpu.memory_space<vmem>>, vector<1x16xf32>,
    %swap3A_398 = vector.shape_cast %swap3A_397 : vector<1x16xf32> to vector<16xf32>
    %swap3A_399 = vector.shape_cast %add3A_393 : vector<16xf32> to vector<1x16xf32>
    tpu.vector_store %arg7[%swap3A_395, %swap3A_396], %swap3A_399 {strides = array<i32>} : memref<4x128xf32, #tpu.memory_space<vmem>>, vector<1x16xf32>,
    %get3A_400 = arith.constant 2 : i32
    %get3A_401 = arith.index_cast %get3A_400 : i32 to index
    %get3A_402 = arith.constant 80 : index
    %get3A_403 = tpu.vector_load %arg7[%get3A_401, %get3A_402] {strides = array<i32>} : memref<4x128xf32, #tpu.memory_space<vmem>>, vector<1x16xf32>,
    %get3A_404 = vector.shape_cast %get3A_403 : vector<1x16xf32> to vector<16xf32>
    %add3A_405 = arith.addf %get3A_404, %get3A_72 : vector<16xf32>
    %swap3A_406 = arith.constant 2 : i32
    %swap3A_407 = arith.index_cast %swap3A_406 : i32 to index
    %swap3A_408 = arith.constant 80 : index
    %swap3A_409 = tpu.vector_load %arg7[%swap3A_407, %swap3A_408] {strides = array<i32>} : memref<4x128xf32, #tpu.memory_space<vmem>>, vector<1x16xf32>,
    %swap3A_410 = vector.shape_cast %swap3A_409 : vector<1x16xf32> to vector<16xf32>
    %swap3A_411 = vector.shape_cast %add3A_405 : vector<16xf32> to vector<1x16xf32>
    tpu.vector_store %arg7[%swap3A_407, %swap3A_408], %swap3A_411 {strides = array<i32>} : memref<4x128xf32, #tpu.memory_space<vmem>>, vector<1x16xf32>,
    %get3A_412 = arith.constant 2 : i32
    %get3A_413 = arith.index_cast %get3A_412 : i32 to index
    %get3A_414 = arith.constant 96 : index
    %get3A_415 = tpu.vector_load %arg7[%get3A_413, %get3A_414] {strides = array<i32>} : memref<4x128xf32, #tpu.memory_space<vmem>>, vector<1x16xf32>,
    %get3A_416 = vector.shape_cast %get3A_415 : vector<1x16xf32> to vector<16xf32>
    %add3A_417 = arith.addf %get3A_416, %get3A_72 : vector<16xf32>
    %swap3A_418 = arith.constant 2 : i32
    %swap3A_419 = arith.index_cast %swap3A_418 : i32 to index
    %swap3A_420 = arith.constant 96 : index
    %swap3A_421 = tpu.vector_load %arg7[%swap3A_419, %swap3A_420] {strides = array<i32>} : memref<4x128xf32, #tpu.memory_space<vmem>>, vector<1x16xf32>,
    %swap3A_422 = vector.shape_cast %swap3A_421 : vector<1x16xf32> to vector<16xf32>
    %swap3A_423 = vector.shape_cast %add3A_417 : vector<16xf32> to vector<1x16xf32>
    tpu.vector_store %arg7[%swap3A_419, %swap3A_420], %swap3A_423 {strides = array<i32>} : memref<4x128xf32, #tpu.memory_space<vmem>>, vector<1x16xf32>,
    %get3A_424 = arith.constant 2 : i32
    %get3A_425 = arith.index_cast %get3A_424 : i32 to index
    %get3A_426 = arith.constant 112 : index
    %get3A_427 = tpu.vector_load %arg7[%get3A_425, %get3A_426] {strides = array<i32>} : memref<4x128xf32, #tpu.memory_space<vmem>>, vector<1x16xf32>,
    %get3A_428 = vector.shape_cast %get3A_427 : vector<1x16xf32> to vector<16xf32>
    %add3A_429 = arith.addf %get3A_428, %get3A_72 : vector<16xf32>
    %swap3A_430 = arith.constant 2 : i32
    %swap3A_431 = arith.index_cast %swap3A_430 : i32 to index
    %swap3A_432 = arith.constant 112 : index
    %swap3A_433 = tpu.vector_load %arg7[%swap3A_431, %swap3A_432] {strides = array<i32>} : memref<4x128xf32, #tpu.memory_space<vmem>>, vector<1x16xf32>,
    %swap3A_434 = vector.shape_cast %swap3A_433 : vector<1x16xf32> to vector<16xf32>
    %swap3A_435 = vector.shape_cast %add3A_429 : vector<16xf32> to vector<1x16xf32>
    tpu.vector_store %arg7[%swap3A_431, %swap3A_432], %swap3A_435 {strides = array<i32>} : memref<4x128xf32, #tpu.memory_space<vmem>>, vector<1x16xf32>,
    %mul3A_436 = arith.constant 4 : i32
    %mul3A_437 = arith.muli %add3A, %mul3A_436 : i32
    %add3A_438 = arith.constant 2 : i32
    %add3A_439 = arith.addi %mul3A_437, %add3A_438 : i32
    %dma_start3A_440 = arith.constant 2 : i32
    %dma_start3A_441 = arith.constant 0 : i32
    %dma_start3A_442 = tpu.memref_slice %arg7[%dma_start3A_440, %dma_start3A_441] : memref<4x128xf32, #tpu.memory_space<vmem>> -> memref<1x128xf32, #tpu.memory_space<vmem>>
    %dma_start3A_443 = tpu.memref_squeeze %dma_start3A_442 : memref<1x128xf32, #tpu.memory_space<vmem>> -> memref<128xf32, #tpu.memory_space<vmem>>
    %dma_start3A_444 = arith.constant 0 : i32
    %dma_start3A_445 = tpu.memref_slice %arg5[%add3A_439, %dma_start3A_444] : memref<128x128xf32, #tpu.memory_space<hbm>> -> memref<1x128xf32, #tpu.memory_space<hbm>>
    %dma_start3A_446 = tpu.memref_squeeze %dma_start3A_445 : memref<1x128xf32, #tpu.memory_space<hbm>> -> memref<128xf32, #tpu.memory_space<hbm>>
    %dma_start3A_447 = arith.constant 0 : i32
    %dma_start3A_448 = tpu.memref_slice %arg5[%add3A_439, %dma_start3A_447] : memref<128x128xf32, #tpu.memory_space<hbm>> -> memref<1x128xf32, #tpu.memory_space<hbm>>
    %dma_start3A_449 = tpu.memref_squeeze %dma_start3A_448 : memref<1x128xf32, #tpu.memory_space<hbm>> -> memref<128xf32, #tpu.memory_space<hbm>>
    %dma_start3A_450 = arith.constant 0 : i32
    %dma_start3A_451 = tpu.memref_slice %arg7[%dma_start3A_440, %dma_start3A_450] : memref<4x128xf32, #tpu.memory_space<vmem>> -> memref<1x128xf32, #tpu.memory_space<vmem>>
    %dma_start3A_452 = tpu.memref_squeeze %dma_start3A_451 : memref<1x128xf32, #tpu.memory_space<vmem>> -> memref<128xf32, #tpu.memory_space<vmem>>
    tpu.enqueue_dma source(%dma_start3A_452 : memref<128xf32, #tpu.memory_space<vmem>>) target(%dma_start3A_449 : memref<128xf32, #tpu.memory_space<hbm>>) target_semaphore(%arg10 : memref<!tpu.dma_semaphore, #tpu.memory_space<semaphore_mem>>)
    %dma_wait3A_453 = arith.constant 0 : i32
    %dma_wait3A_454 = arith.constant 3 : i32
    %dma_wait3A_455 = arith.constant 3 : i32
    %dma_wait3A_456 = arith.constant 0 : i32
    %dma_wait3A_457 = tpu.memref_slice %arg7[%dma_wait3A_455, %dma_wait3A_456] : memref<4x128xf32, #tpu.memory_space<vmem>> -> memref<1x128xf32, #tpu.memory_space<vmem>>
    %dma_wait3A_458 = tpu.memref_squeeze %dma_wait3A_457 : memref<1x128xf32, #tpu.memory_space<vmem>> -> memref<128xf32, #tpu.memory_space<vmem>>
    %dma_wait3A_459 = arith.constant 0 : i32
    %dma_wait3A_460 = tpu.memref_slice %arg6[%dma_wait3A_454, %dma_wait3A_459] : memref<4x128xi32, #tpu.memory_space<vmem>> -> memref<1x128xi32, #tpu.memory_space<vmem>>
    %dma_wait3A_461 = tpu.memref_squeeze %dma_wait3A_460 : memref<1x128xi32, #tpu.memory_space<vmem>> -> memref<128xi32, #tpu.memory_space<vmem>>
    %dma_wait3A_462 = arith.constant 0 : i32
    %dma_wait3A_463 = tpu.memref_slice %arg2[%dma_wait3A_453, %dma_wait3A_462] : memref<1x1000000xf32, #tpu.memory_space<hbm>> -> memref<1x1000000xf32, #tpu.memory_space<hbm>>
    %dma_wait3A_464 = tpu.memref_squeeze %dma_wait3A_463 : memref<1x1000000xf32, #tpu.memory_space<hbm>> -> memref<1000000xf32, #tpu.memory_space<hbm>>
    %dma_wait3A_465 = arith.constant 0 : i32
    %dma_wait3A_466 = tpu.memref_slice %dma_wait3A_464[%dma_wait3A_465] : memref<1000000xf32, #tpu.memory_space<hbm>> -> memref<1000000xf32, #tpu.memory_space<hbm>>
    tpu.wait_indirect_dma semaphore(%arg9 : memref<!tpu.dma_semaphore, #tpu.memory_space<semaphore_mem>>) src(%dma_wait3A_466 : memref<1000000xf32, #tpu.memory_space<hbm>>) dst(%dma_wait3A_458 : memref<128xf32, #tpu.memory_space<vmem>>)
    %get3A_467 = arith.constant 3 : i32
    %get3A_468 = arith.index_cast %get3A_467 : i32 to index
    %get3A_469 = arith.constant 0 : index
    %get3A_470 = tpu.vector_load %arg7[%get3A_468, %get3A_469] {strides = array<i32>} : memref<4x128xf32, #tpu.memory_space<vmem>>, vector<1x16xf32>,
    %get3A_471 = vector.shape_cast %get3A_470 : vector<1x16xf32> to vector<16xf32>
    %add3A_472 = arith.addf %get3A_471, %get3A_72 : vector<16xf32>
    %swap3A_473 = arith.constant 3 : i32
    %swap3A_474 = arith.index_cast %swap3A_473 : i32 to index
    %swap3A_475 = arith.constant 0 : index
    %swap3A_476 = tpu.vector_load %arg7[%swap3A_474, %swap3A_475] {strides = array<i32>} : memref<4x128xf32, #tpu.memory_space<vmem>>, vector<1x16xf32>,
    %swap3A_477 = vector.shape_cast %swap3A_476 : vector<1x16xf32> to vector<16xf32>
    %swap3A_478 = vector.shape_cast %add3A_472 : vector<16xf32> to vector<1x16xf32>
    tpu.vector_store %arg7[%swap3A_474, %swap3A_475], %swap3A_478 {strides = array<i32>} : memref<4x128xf32, #tpu.memory_space<vmem>>, vector<1x16xf32>,
    %get3A_479 = arith.constant 3 : i32
    %get3A_480 = arith.index_cast %get3A_479 : i32 to index
    %get3A_481 = arith.constant 16 : index
    %get3A_482 = tpu.vector_load %arg7[%get3A_480, %get3A_481] {strides = array<i32>} : memref<4x128xf32, #tpu.memory_space<vmem>>, vector<1x16xf32>,
    %get3A_483 = vector.shape_cast %get3A_482 : vector<1x16xf32> to vector<16xf32>
    %add3A_484 = arith.addf %get3A_483, %get3A_72 : vector<16xf32>
    %swap3A_485 = arith.constant 3 : i32
    %swap3A_486 = arith.index_cast %swap3A_485 : i32 to index
    %swap3A_487 = arith.constant 16 : index
    %swap3A_488 = tpu.vector_load %arg7[%swap3A_486, %swap3A_487] {strides = array<i32>} : memref<4x128xf32, #tpu.memory_space<vmem>>, vector<1x16xf32>,
    %swap3A_489 = vector.shape_cast %swap3A_488 : vector<1x16xf32> to vector<16xf32>
    %swap3A_490 = vector.shape_cast %add3A_484 : vector<16xf32> to vector<1x16xf32>
    tpu.vector_store %arg7[%swap3A_486, %swap3A_487], %swap3A_490 {strides = array<i32>} : memref<4x128xf32, #tpu.memory_space<vmem>>, vector<1x16xf32>,
    %get3A_491 = arith.constant 3 : i32
    %get3A_492 = arith.index_cast %get3A_491 : i32 to index
    %get3A_493 = arith.constant 32 : index
    %get3A_494 = tpu.vector_load %arg7[%get3A_492, %get3A_493] {strides = array<i32>} : memref<4x128xf32, #tpu.memory_space<vmem>>, vector<1x16xf32>,
    %get3A_495 = vector.shape_cast %get3A_494 : vector<1x16xf32> to vector<16xf32>
    %add3A_496 = arith.addf %get3A_495, %get3A_72 : vector<16xf32>
    %swap3A_497 = arith.constant 3 : i32
    %swap3A_498 = arith.index_cast %swap3A_497 : i32 to index
    %swap3A_499 = arith.constant 32 : index
    %swap3A_500 = tpu.vector_load %arg7[%swap3A_498, %swap3A_499] {strides = array<i32>} : memref<4x128xf32, #tpu.memory_space<vmem>>, vector<1x16xf32>,
    %swap3A_501 = vector.shape_cast %swap3A_500 : vector<1x16xf32> to vector<16xf32>
    %swap3A_502 = vector.shape_cast %add3A_496 : vector<16xf32> to vector<1x16xf32>
    tpu.vector_store %arg7[%swap3A_498, %swap3A_499], %swap3A_502 {strides = array<i32>} : memref<4x128xf32, #tpu.memory_space<vmem>>, vector<1x16xf32>,
    %get3A_503 = arith.constant 3 : i32
    %get3A_504 = arith.index_cast %get3A_503 : i32 to index
    %get3A_505 = arith.constant 48 : index
    %get3A_506 = tpu.vector_load %arg7[%get3A_504, %get3A_505] {strides = array<i32>} : memref<4x128xf32, #tpu.memory_space<vmem>>, vector<1x16xf32>,
    %get3A_507 = vector.shape_cast %get3A_506 : vector<1x16xf32> to vector<16xf32>
    %add3A_508 = arith.addf %get3A_507, %get3A_72 : vector<16xf32>
    %swap3A_509 = arith.constant 3 : i32
    %swap3A_510 = arith.index_cast %swap3A_509 : i32 to index
    %swap3A_511 = arith.constant 48 : index
    %swap3A_512 = tpu.vector_load %arg7[%swap3A_510, %swap3A_511] {strides = array<i32>} : memref<4x128xf32, #tpu.memory_space<vmem>>, vector<1x16xf32>,
    %swap3A_513 = vector.shape_cast %swap3A_512 : vector<1x16xf32> to vector<16xf32>
    %swap3A_514 = vector.shape_cast %add3A_508 : vector<16xf32> to vector<1x16xf32>
    tpu.vector_store %arg7[%swap3A_510, %swap3A_511], %swap3A_514 {strides = array<i32>} : memref<4x128xf32, #tpu.memory_space<vmem>>, vector<1x16xf32>,
    %get3A_515 = arith.constant 3 : i32
    %get3A_516 = arith.index_cast %get3A_515 : i32 to index
    %get3A_517 = arith.constant 64 : index
    %get3A_518 = tpu.vector_load %arg7[%get3A_516, %get3A_517] {strides = array<i32>} : memref<4x128xf32, #tpu.memory_space<vmem>>, vector<1x16xf32>,
    %get3A_519 = vector.shape_cast %get3A_518 : vector<1x16xf32> to vector<16xf32>
    %add3A_520 = arith.addf %get3A_519, %get3A_72 : vector<16xf32>
    %swap3A_521 = arith.constant 3 : i32
    %swap3A_522 = arith.index_cast %swap3A_521 : i32 to index
    %swap3A_523 = arith.constant 64 : index
    %swap3A_524 = tpu.vector_load %arg7[%swap3A_522, %swap3A_523] {strides = array<i32>} : memref<4x128xf32, #tpu.memory_space<vmem>>, vector<1x16xf32>,
    %swap3A_525 = vector.shape_cast %swap3A_524 : vector<1x16xf32> to vector<16xf32>
    %swap3A_526 = vector.shape_cast %add3A_520 : vector<16xf32> to vector<1x16xf32>
    tpu.vector_store %arg7[%swap3A_522, %swap3A_523], %swap3A_526 {strides = array<i32>} : memref<4x128xf32, #tpu.memory_space<vmem>>, vector<1x16xf32>,
    %get3A_527 = arith.constant 3 : i32
    %get3A_528 = arith.index_cast %get3A_527 : i32 to index
    %get3A_529 = arith.constant 80 : index
    %get3A_530 = tpu.vector_load %arg7[%get3A_528, %get3A_529] {strides = array<i32>} : memref<4x128xf32, #tpu.memory_space<vmem>>, vector<1x16xf32>,
    %get3A_531 = vector.shape_cast %get3A_530 : vector<1x16xf32> to vector<16xf32>
    %add3A_532 = arith.addf %get3A_531, %get3A_72 : vector<16xf32>
    %swap3A_533 = arith.constant 3 : i32
    %swap3A_534 = arith.index_cast %swap3A_533 : i32 to index
    %swap3A_535 = arith.constant 80 : index
    %swap3A_536 = tpu.vector_load %arg7[%swap3A_534, %swap3A_535] {strides = array<i32>} : memref<4x128xf32, #tpu.memory_space<vmem>>, vector<1x16xf32>,
    %swap3A_537 = vector.shape_cast %swap3A_536 : vector<1x16xf32> to vector<16xf32>
    %swap3A_538 = vector.shape_cast %add3A_532 : vector<16xf32> to vector<1x16xf32>
    tpu.vector_store %arg7[%swap3A_534, %swap3A_535], %swap3A_538 {strides = array<i32>} : memref<4x128xf32, #tpu.memory_space<vmem>>, vector<1x16xf32>,
    %get3A_539 = arith.constant 3 : i32
    %get3A_540 = arith.index_cast %get3A_539 : i32 to index
    %get3A_541 = arith.constant 96 : index
    %get3A_542 = tpu.vector_load %arg7[%get3A_540, %get3A_541] {strides = array<i32>} : memref<4x128xf32, #tpu.memory_space<vmem>>, vector<1x16xf32>,
    %get3A_543 = vector.shape_cast %get3A_542 : vector<1x16xf32> to vector<16xf32>
    %add3A_544 = arith.addf %get3A_543, %get3A_72 : vector<16xf32>
    %swap3A_545 = arith.constant 3 : i32
    %swap3A_546 = arith.index_cast %swap3A_545 : i32 to index
    %swap3A_547 = arith.constant 96 : index
    %swap3A_548 = tpu.vector_load %arg7[%swap3A_546, %swap3A_547] {strides = array<i32>} : memref<4x128xf32, #tpu.memory_space<vmem>>, vector<1x16xf32>,
    %swap3A_549 = vector.shape_cast %swap3A_548 : vector<1x16xf32> to vector<16xf32>
    %swap3A_550 = vector.shape_cast %add3A_544 : vector<16xf32> to vector<1x16xf32>
    tpu.vector_store %arg7[%swap3A_546, %swap3A_547], %swap3A_550 {strides = array<i32>} : memref<4x128xf32, #tpu.memory_space<vmem>>, vector<1x16xf32>,
    %get3A_551 = arith.constant 3 : i32
    %get3A_552 = arith.index_cast %get3A_551 : i32 to index
    %get3A_553 = arith.constant 112 : index
    %get3A_554 = tpu.vector_load %arg7[%get3A_552, %get3A_553] {strides = array<i32>} : memref<4x128xf32, #tpu.memory_space<vmem>>, vector<1x16xf32>,
    %get3A_555 = vector.shape_cast %get3A_554 : vector<1x16xf32> to vector<16xf32>
    %add3A_556 = arith.addf %get3A_555, %get3A_72 : vector<16xf32>
    %swap3A_557 = arith.constant 3 : i32
    %swap3A_558 = arith.index_cast %swap3A_557 : i32 to index
    %swap3A_559 = arith.constant 112 : index
    %swap3A_560 = tpu.vector_load %arg7[%swap3A_558, %swap3A_559] {strides = array<i32>} : memref<4x128xf32, #tpu.memory_space<vmem>>, vector<1x16xf32>,
    %swap3A_561 = vector.shape_cast %swap3A_560 : vector<1x16xf32> to vector<16xf32>
    %swap3A_562 = vector.shape_cast %add3A_556 : vector<16xf32> to vector<1x16xf32>
    tpu.vector_store %arg7[%swap3A_558, %swap3A_559], %swap3A_562 {strides = array<i32>} : memref<4x128xf32, #tpu.memory_space<vmem>>, vector<1x16xf32>,
    %mul3A_563 = arith.constant 4 : i32
    %mul3A_564 = arith.muli %add3A, %mul3A_563 : i32
    %add3A_565 = arith.constant 3 : i32
    %add3A_566 = arith.addi %mul3A_564, %add3A_565 : i32
    %dma_start3A_567 = arith.constant 3 : i32
    %dma_start3A_568 = arith.constant 0 : i32
    %dma_start3A_569 = tpu.memref_slice %arg7[%dma_start3A_567, %dma_start3A_568] : memref<4x128xf32, #tpu.memory_space<vmem>> -> memref<1x128xf32, #tpu.memory_space<vmem>>
    %dma_start3A_570 = tpu.memref_squeeze %dma_start3A_569 : memref<1x128xf32, #tpu.memory_space<vmem>> -> memref<128xf32, #tpu.memory_space<vmem>>
    %dma_start3A_571 = arith.constant 0 : i32
    %dma_start3A_572 = tpu.memref_slice %arg5[%add3A_566, %dma_start3A_571] : memref<128x128xf32, #tpu.memory_space<hbm>> -> memref<1x128xf32, #tpu.memory_space<hbm>>
    %dma_start3A_573 = tpu.memref_squeeze %dma_start3A_572 : memref<1x128xf32, #tpu.memory_space<hbm>> -> memref<128xf32, #tpu.memory_space<hbm>>
    %dma_start3A_574 = arith.constant 0 : i32
    %dma_start3A_575 = tpu.memref_slice %arg5[%add3A_566, %dma_start3A_574] : memref<128x128xf32, #tpu.memory_space<hbm>> -> memref<1x128xf32, #tpu.memory_space<hbm>>
    %dma_start3A_576 = tpu.memref_squeeze %dma_start3A_575 : memref<1x128xf32, #tpu.memory_space<hbm>> -> memref<128xf32, #tpu.memory_space<hbm>>
    %dma_start3A_577 = arith.constant 0 : i32
    %dma_start3A_578 = tpu.memref_slice %arg7[%dma_start3A_567, %dma_start3A_577] : memref<4x128xf32, #tpu.memory_space<vmem>> -> memref<1x128xf32, #tpu.memory_space<vmem>>
    %dma_start3A_579 = tpu.memref_squeeze %dma_start3A_578 : memref<1x128xf32, #tpu.memory_space<vmem>> -> memref<128xf32, #tpu.memory_space<vmem>>
    tpu.enqueue_dma source(%dma_start3A_579 : memref<128xf32, #tpu.memory_space<vmem>>) target(%dma_start3A_576 : memref<128xf32, #tpu.memory_space<hbm>>) target_semaphore(%arg10 : memref<!tpu.dma_semaphore, #tpu.memory_space<semaphore_mem>>)
    %dma_wait3A_580 = arith.constant 0 : i32
    %dma_wait3A_581 = arith.constant 0 : i32
    %dma_wait3A_582 = tpu.memref_slice %arg7[%dma_wait3A_580, %dma_wait3A_581] : memref<4x128xf32, #tpu.memory_space<vmem>> -> memref<1x128xf32, #tpu.memory_space<vmem>>
    %dma_wait3A_583 = tpu.memref_squeeze %dma_wait3A_582 : memref<1x128xf32, #tpu.memory_space<vmem>> -> memref<128xf32, #tpu.memory_space<vmem>>
    %dma_wait3A_584 = arith.constant 0 : i32
    %dma_wait3A_585 = tpu.memref_slice %arg5[%add3A_185, %dma_wait3A_584] : memref<128x128xf32, #tpu.memory_space<hbm>> -> memref<1x128xf32, #tpu.memory_space<hbm>>
    %dma_wait3A_586 = tpu.memref_squeeze %dma_wait3A_585 : memref<1x128xf32, #tpu.memory_space<hbm>> -> memref<128xf32, #tpu.memory_space<hbm>>
    %dma_wait3A_587 = arith.constant 0 : i32
    %dma_wait3A_588 = tpu.memref_slice %arg5[%add3A_185, %dma_wait3A_587] : memref<128x128xf32, #tpu.memory_space<hbm>> -> memref<1x128xf32, #tpu.memory_space<hbm>>
    %dma_wait3A_589 = tpu.memref_squeeze %dma_wait3A_588 : memref<1x128xf32, #tpu.memory_space<hbm>> -> memref<128xf32, #tpu.memory_space<hbm>>
    %dma_wait3A_590 = arith.constant 0 : i32
    %dma_wait3A_591 = tpu.memref_slice %arg7[%dma_wait3A_580, %dma_wait3A_590] : memref<4x128xf32, #tpu.memory_space<vmem>> -> memref<1x128xf32, #tpu.memory_space<vmem>>
    %dma_wait3A_592 = tpu.memref_squeeze %dma_wait3A_591 : memref<1x128xf32, #tpu.memory_space<vmem>> -> memref<128xf32, #tpu.memory_space<vmem>>
    tpu.wait_dma2 semaphore(%arg10 : memref<!tpu.dma_semaphore, #tpu.memory_space<semaphore_mem>>) src(%dma_wait3A_592 : memref<128xf32, #tpu.memory_space<vmem>>) dst(%dma_wait3A_589 : memref<128xf32, #tpu.memory_space<hbm>>)
    %dma_wait3A_593 = arith.constant 1 : i32
    %dma_wait3A_594 = arith.constant 0 : i32
    %dma_wait3A_595 = tpu.memref_slice %arg7[%dma_wait3A_593, %dma_wait3A_594] : memref<4x128xf32, #tpu.memory_space<vmem>> -> memref<1x128xf32, #tpu.memory_space<vmem>>
    %dma_wait3A_596 = tpu.memref_squeeze %dma_wait3A_595 : memref<1x128xf32, #tpu.memory_space<vmem>> -> memref<128xf32, #tpu.memory_space<vmem>>
    %dma_wait3A_597 = arith.constant 0 : i32
    %dma_wait3A_598 = tpu.memref_slice %arg5[%add3A_312, %dma_wait3A_597] : memref<128x128xf32, #tpu.memory_space<hbm>> -> memref<1x128xf32, #tpu.memory_space<hbm>>
    %dma_wait3A_599 = tpu.memref_squeeze %dma_wait3A_598 : memref<1x128xf32, #tpu.memory_space<hbm>> -> memref<128xf32, #tpu.memory_space<hbm>>
    %dma_wait3A_600 = arith.constant 0 : i32
    %dma_wait3A_601 = tpu.memref_slice %arg5[%add3A_312, %dma_wait3A_600] : memref<128x128xf32, #tpu.memory_space<hbm>> -> memref<1x128xf32, #tpu.memory_space<hbm>>
    %dma_wait3A_602 = tpu.memref_squeeze %dma_wait3A_601 : memref<1x128xf32, #tpu.memory_space<hbm>> -> memref<128xf32, #tpu.memory_space<hbm>>
    %dma_wait3A_603 = arith.constant 0 : i32
    %dma_wait3A_604 = tpu.memref_slice %arg7[%dma_wait3A_593, %dma_wait3A_603] : memref<4x128xf32, #tpu.memory_space<vmem>> -> memref<1x128xf32, #tpu.memory_space<vmem>>
    %dma_wait3A_605 = tpu.memref_squeeze %dma_wait3A_604 : memref<1x128xf32, #tpu.memory_space<vmem>> -> memref<128xf32, #tpu.memory_space<vmem>>
    tpu.wait_dma2 semaphore(%arg10 : memref<!tpu.dma_semaphore, #tpu.memory_space<semaphore_mem>>) src(%dma_wait3A_605 : memref<128xf32, #tpu.memory_space<vmem>>) dst(%dma_wait3A_602 : memref<128xf32, #tpu.memory_space<hbm>>)
    %dma_wait3A_606 = arith.constant 2 : i32
    %dma_wait3A_607 = arith.constant 0 : i32
    %dma_wait3A_608 = tpu.memref_slice %arg7[%dma_wait3A_606, %dma_wait3A_607] : memref<4x128xf32, #tpu.memory_space<vmem>> -> memref<1x128xf32, #tpu.memory_space<vmem>>
    %dma_wait3A_609 = tpu.memref_squeeze %dma_wait3A_608 : memref<1x128xf32, #tpu.memory_space<vmem>> -> memref<128xf32, #tpu.memory_space<vmem>>
    %dma_wait3A_610 = arith.constant 0 : i32
    %dma_wait3A_611 = tpu.memref_slice %arg5[%add3A_439, %dma_wait3A_610] : memref<128x128xf32, #tpu.memory_space<hbm>> -> memref<1x128xf32, #tpu.memory_space<hbm>>
    %dma_wait3A_612 = tpu.memref_squeeze %dma_wait3A_611 : memref<1x128xf32, #tpu.memory_space<hbm>> -> memref<128xf32, #tpu.memory_space<hbm>>
    %dma_wait3A_613 = arith.constant 0 : i32
    %dma_wait3A_614 = tpu.memref_slice %arg5[%add3A_439, %dma_wait3A_613] : memref<128x128xf32, #tpu.memory_space<hbm>> -> memref<1x128xf32, #tpu.memory_space<hbm>>
    %dma_wait3A_615 = tpu.memref_squeeze %dma_wait3A_614 : memref<1x128xf32, #tpu.memory_space<hbm>> -> memref<128xf32, #tpu.memory_space<hbm>>
    %dma_wait3A_616 = arith.constant 0 : i32
    %dma_wait3A_617 = tpu.memref_slice %arg7[%dma_wait3A_606, %dma_wait3A_616] : memref<4x128xf32, #tpu.memory_space<vmem>> -> memref<1x128xf32, #tpu.memory_space<vmem>>
    %dma_wait3A_618 = tpu.memref_squeeze %dma_wait3A_617 : memref<1x128xf32, #tpu.memory_space<vmem>> -> memref<128xf32, #tpu.memory_space<vmem>>
    tpu.wait_dma2 semaphore(%arg10 : memref<!tpu.dma_semaphore, #tpu.memory_space<semaphore_mem>>) src(%dma_wait3A_618 : memref<128xf32, #tpu.memory_space<vmem>>) dst(%dma_wait3A_615 : memref<128xf32, #tpu.memory_space<hbm>>)
    %dma_wait3A_619 = arith.constant 3 : i32
    %dma_wait3A_620 = arith.constant 0 : i32
    %dma_wait3A_621 = tpu.memref_slice %arg7[%dma_wait3A_619, %dma_wait3A_620] : memref<4x128xf32, #tpu.memory_space<vmem>> -> memref<1x128xf32, #tpu.memory_space<vmem>>
    %dma_wait3A_622 = tpu.memref_squeeze %dma_wait3A_621 : memref<1x128xf32, #tpu.memory_space<vmem>> -> memref<128xf32, #tpu.memory_space<vmem>>
    %dma_wait3A_623 = arith.constant 0 : i32
    %dma_wait3A_624 = tpu.memref_slice %arg5[%add3A_566, %dma_wait3A_623] : memref<128x128xf32, #tpu.memory_space<hbm>> -> memref<1x128xf32, #tpu.memory_space<hbm>>
    %dma_wait3A_625 = tpu.memref_squeeze %dma_wait3A_624 : memref<1x128xf32, #tpu.memory_space<hbm>> -> memref<128xf32, #tpu.memory_space<hbm>>
    %dma_wait3A_626 = arith.constant 0 : i32
    %dma_wait3A_627 = tpu.memref_slice %arg5[%add3A_566, %dma_wait3A_626] : memref<128x128xf32, #tpu.memory_space<hbm>> -> memref<1x128xf32, #tpu.memory_space<hbm>>
    %dma_wait3A_628 = tpu.memref_squeeze %dma_wait3A_627 : memref<1x128xf32, #tpu.memory_space<hbm>> -> memref<128xf32, #tpu.memory_space<hbm>>
    %dma_wait3A_629 = arith.constant 0 : i32
    %dma_wait3A_630 = tpu.memref_slice %arg7[%dma_wait3A_619, %dma_wait3A_629] : memref<4x128xf32, #tpu.memory_space<vmem>> -> memref<1x128xf32, #tpu.memory_space<vmem>>
    %dma_wait3A_631 = tpu.memref_squeeze %dma_wait3A_630 : memref<1x128xf32, #tpu.memory_space<vmem>> -> memref<128xf32, #tpu.memory_space<vmem>>
    tpu.wait_dma2 semaphore(%arg10 : memref<!tpu.dma_semaphore, #tpu.memory_space<semaphore_mem>>) src(%dma_wait3A_631 : memref<128xf32, #tpu.memory_space<vmem>>) dst(%dma_wait3A_628 : memref<128xf32, #tpu.memory_space<hbm>>)
    return
  }
}

</mosaic_0001>

<sc_bundles>
// kernel: kernel.3.cloned.1.call-start
scs
__scs_entry_jumppad:
0x0: {  	(pc) =	sbr.rel $0x88, $3  }
0x1: {  	(tag) =	ssettag $0x0;
	lr =	simm.s32 $0x1  }
0x2: {  	[smem:$0x3F9E] =	sst lr;
	_ =	strace $0xD0000000  }
0x3: {  	_ = 	snop  }
0x4: {  	_ = 	snop  }
0x5: {  	_ = 	snop  }
0x6: {  	_ = 	snop  }
0x7: {  	_ = 	snop  }
__scs_overlays_trampoline_lowered:
0x8: {  	[smem:$0x3FAD] =	sst s0  }
0x9: {  	[smem:$0x3FAE] =	sst s1  }
0xa: {  	[smem:$0x3FAF] =	sst s2  }
0xb: {  	[smem:$0x3FB0] =	sst s3  }
0xc: {  	[smem:$0x3FB1] =	sst s4  }
0xd: {  	[smem:$0x3FB2] =	sst s5  }
0xe: {  	[smem:$0x3FB3] =	sst s6  }
0xf: {  	[smem:$0x3FB4] =	sst s7  }
0x10: {  	[smem:$0x3FB5] =	sst s8  }
0x11: {  	[smem:$0x3FB6] =	sst s9;
	s0 =	simm.s32 @!p0 $0x0  }
0x12: {  	s1 =	sld [smem:$0x3F9C];
	s0 =	simm.s32 @p0 $0x1  }
0x13: {  	[smem:$0x3FB7] =	sst s0;
	s0 =	simm.s32 @!p1 $0x0  }
0x14: {  	s2 =	sld [smem:$0x3F9B];
	s0 =	simm.s32 @p1 $0x1  }
0x15: {  	[smem:$0x3FB8] =	sst s0;
	s0 =	simm.s32 @!p2 $0x0  }
0x16: {  	s3 =	sld [smem:$0x3FDB];
	s0 =	simm.s32 @p2 $0x1  }
0x17: {  	s4 =	simm.s32 $0x1BF5;
	[smem:$0x3FBA] =	sst s0  }
0x18: {  	s0 =	sld [smem:$0x3F9D];
	_ =	swait.ge [sflag:s4], $0x0  }
0x19: {  	s7 =	sld [smem:$0x3F9E]  }
0x1a: {  	s8 =	sadd.s32 $0xFFFFE003, lr  }
0x1b: {  	s9 =	sadd.s32 $0xFFFFFEF7, lr;
	s5 =	simm.s32 $0xFFFFFFFF;
	p2 =	slt.u32 s8, $0xFFFFF086  }
0x1c: {  	p1 =	slt.u32 s9, $0xF7A;
	s5 =	simm.s32 @!p2 $0x0  }
0x1d: {  	s5 =	simm.s32 @p1 $0x1;
	p0 =	seq.s32 s7, s2  }
0x1e: {  	s7 =	smul.u32 @!p0 $0xF7A, s2;
	p2 =	seq.s32 @!p0 s5, $0x0  }
0x1f: {  	s9 =	smul.u32 $0xF7A, s1;
	s8 =	simm.s32 @!p0 $0x1BF5;
	p2 =	por !p2, p0  }
0x20: {  	[sflag:s8] =	ssyncset.s32 @!p0 $0xFFFFF086;
	s6 =	sadd.s32 @!p0 s3, s7;
	s7 =	simm.s32 @!p0 $0x108  }
0x21: {  	s3 =	sadd.s32 s3, s9;
	s6 =	sadd.s32 @!p0 $0x88, s6;
	s7 =	simm.s32 @p2 $0x1082  }
0x22: {  	[simem:s7], [sflag:s8] =	dma.local @!p0 [hbm:s6], $0xF7A  }
0x23: {  	s9 =	sor.u32 $0xD0000000, s2;
	s6 =	simm.s32 $0x108;
	_ =	swait.ge @!p0 [sflag:s8], $0x0  }
0x24: {  	s3 =	sadd.s32 $0x88, s3;
	s6 =	simm.s32 @!p1 $0x1082;
	[sflag:s4] =	ssyncset.s32 $0xFFFFF086  }
0x25: {  	[simem:s6], [sflag:s4] =	dma.local [hbm:s3], $0xF7A  }
0x26: {  	[smem:$0x3F9E] =	sst s1;
	(tag) =	ssettag s2;
	_ =	strace s9  }
0x27: {  	s1 =	sld [smem:$0x3FAE]  }
0x28: {  	s2 =	sld [smem:$0x3FAF]  }
0x29: {  	s4 =	sld [smem:$0x3FB1]  }
0x2a: {  	p0 =	seq.s32 s5, $0x0;
	s5 =	sld [smem:$0x3FB2]  }
0x2b: {  	s6 =	sld [smem:$0x3FB3]  }
0x2c: {  	s7 =	sld [smem:$0x3FB4]  }
0x2d: {  	s3 =	simm.s32 $0x108;
	s8 =	sld [smem:$0x3FB5]  }
0x2e: {  	s3 =	simm.s32 @!p0 $0x1082;
	s9 =	sld [smem:$0x3FB6]  }
0x2f: {  	lr =	sadd.s32 s0, s3;
	s0 =	sld [smem:$0x3FAD]  }
0x30: {  	s3 =	sld [smem:$0x3FB0]  }
0x31: {  	[smem:$0x3FB9] =	sst s10  }
0x32: {  	s10 =	sld [smem:$0x3FB7];
	_ =	sdelay $0x3  }
0x33: {  	p0 =	seq.s32 s10, $0x1;
	s10 =	sld [smem:$0x3FB9];
	_ =	sdelay $0x3  }
0x34: {  	[smem:$0x3FB9] =	sst s10  }
0x35: {  	s10 =	sld [smem:$0x3FB8];
	_ =	sdelay $0x3  }
0x36: {  	p1 =	seq.s32 s10, $0x1;
	s10 =	sld [smem:$0x3FB9];
	_ =	sdelay $0x3  }
0x37: {  	[smem:$0x3FB9] =	sst s10  }
0x38: {  	s10 =	sld [smem:$0x3FBA]  }
0x39: {  	_ = 	snop;
	(pc) =	sbr.ind lr, $3  }
0x3a: {  	_ = 	snop  }
0x3b: {  	_ = 	snop  }
0x3c: {  	p2 =	seq.s32 s10, $0x1;
	s10 =	sld [smem:$0x3FB9]  }
0x3d: {  	_ =	shalt  }
0x3e: {  	_ =	shalt  }
0x3f: {  	_ =	shalt  }
0x40: {  	_ =	shalt  }
0x41: {  	_ =	shalt  }
0x42: {  	_ =	shalt  }
0x43: {  	_ =	shalt  }
0x44: {  	_ =	shalt  }
0x45: {  	_ =	shalt  }
0x46: {  	_ =	shalt  }
0x47: {  	_ =	shalt  }
0x48: {  	_ =	shalt  }
0x49: {  	_ =	shalt  }
0x4a: {  	_ =	shalt  }
0x4b: {  	_ =	shalt  }
0x4c: {  	_ =	shalt  }
0x4d: {  	_ =	shalt  }
0x4e: {  	_ =	shalt  }
0x4f: {  	_ =	shalt  }
0x50: {  	_ =	shalt  }
0x51: {  	_ =	shalt  }
0x52: {  	_ =	shalt  }
0x53: {  	_ =	shalt  }
0x54: {  	_ =	shalt  }
0x55: {  	_ =	shalt  }
0x56: {  	_ =	shalt  }
0x57: {  	_ =	shalt  }
0x58: {  	_ =	shalt  }
0x59: {  	_ =	shalt  }
0x5a: {  	_ =	shalt  }
0x5b: {  	_ =	shalt  }
0x5c: {  	_ =	shalt  }
0x5d: {  	_ =	shalt  }
0x5e: {  	_ =	shalt  }
0x5f: {  	_ =	shalt  }
0x60: {  	_ =	shalt  }
0x61: {  	_ =	shalt  }
0x62: {  	_ =	shalt  }
0x63: {  	_ =	shalt  }
0x64: {  	_ =	shalt  }
0x65: {  	_ =	shalt  }
0x66: {  	_ =	shalt  }
0x67: {  	_ =	shalt  }
0x68: {  	_ =	shalt  }
0x69: {  	_ =	shalt  }
0x6a: {  	_ =	shalt  }
0x6b: {  	_ =	shalt  }
0x6c: {  	_ =	shalt  }
0x6d: {  	_ =	shalt  }
0x6e: {  	_ =	shalt  }
0x6f: {  	_ =	shalt  }
0x70: {  	_ =	shalt  }
0x71: {  	_ =	shalt  }
0x72: {  	_ =	shalt  }
0x73: {  	_ =	shalt  }
0x74: {  	_ =	shalt  }
0x75: {  	_ =	shalt  }
0x76: {  	_ =	shalt  }
0x77: {  	_ =	shalt  }
0x78: {  	_ =	shalt  }
0x79: {  	_ =	shalt  }
0x7a: {  	_ =	shalt  }
0x7b: {  	_ =	shalt  }
0x7c: {  	_ =	shalt  }
0x7d: {  	_ =	shalt  }
0x7e: {  	_ =	shalt  }
0x7f: {  	_ =	shalt  }
0x80: {  	_ =	shalt  }
0x81: {  	_ =	shalt  }
0x82: {  	_ =	shalt  }
0x83: {  	_ =	shalt  }
0x84: {  	_ =	shalt  }
0x85: {  	_ =	shalt  }
0x86: {  	_ =	shalt  }
0x87: {  	_ =	shalt  }
.Lfunc_end0:
.L_simem_size_0:
called_computation_lowered:
.L_overlay_start_0:
0x88: {  	s2 =	sld [smem:$0x3FD9]  }
0x89: {  	s3 =	sld [smem:$0x3FFE];
	_ =	sdelay $0x1  }
0x8a: {  	s1 =	srdreg.scid  }
0x8b: {  	s0 =	sand.u32 $0x1, s1  }
0x8c: {  	s17 =	sshll.u32 s0, $0xA;
	s2 =	sadd.s32 s3, s2  }
0x8d: {  	s2 =	sadd.s32 s2, s17  }
0x8e: {  	[smem:$0x3FC5] =	sst s2  }
0x8f: {  	_ = 	snop  }
0x90: {  	s2 =	sld [smem:$0x3FC9]  }
0x91: {  	s18 =	sld [smem:$0x3FC8]  }
0x92: {  	s4 =	sld [smem:$0x3FD0];
	(tm) =	ssettm $0x1  }
0x93: {  	s5 =	sld [smem:$0x3FFB];
	_ =	sdelay $0x3  }
0x94: {  	_ =	strace s5  }
0x95: {  	s5 =	sld [smem:$0x3FFC];
	_ =	sdelay $0x3  }
0x96: {  	_ =	strace s5  }
0x97: {  	s5 =	sld [smem:$0x3FFD];
	_ =	sdelay $0x3  }
0x98: {  	_ =	strace s5  }
0x99: {  	_ =	strace $0x8FFFFFFF  }
0x9a: {  	s19 =	sld [smem:$0x3FDB];
	_ =	sdelay $0x1  }
0x9b: {  	s6 =	simm.s32 $_scs_section_size  }
0x9c: {  	s7 =	simm.s32 $_size__tile_overlayer_lowered;
	s8 =	simm.s32 $_tile_overlayer_lowered  }
0x9d: {  	s22 =	simm.s32 $0x1BFF;
	s21 =	sshll.u32 s8, $0x1;
	s5 =	sadd.s32 s6, s19  }
0x9e: {  	s9 =	simm.s32 $0x0;
	s20 =	sshll.u32 s7, $0x1;
	s7 =	sadd.s32 s21, s5  }
0x9f: {  	[timem:s9], [sflag:s22] =	dma.local [hbm:s7], s20  }
0xa0: {  	_ =	swait.ge [sflag:s22], s20  }
0xa1: {  	s6 =	ssub.s32 $0x0, s20;
	[sflag:s22] =	ssyncset.done $0x0  }
0xa2: {  	[sflag:s22] =	ssyncadd.s32 s6;
	_ =	sdelay $0x1  }
0xa3: {  	s23 =	simm.s32 $0x1B8B  }
0xa4: {  	_ =	swait.ge [sflag:s23], $0x1  }
0xa5: {  	[sflag:s23] =	ssyncset.done $0x0  }
0xa6: {  	s25 =	simm.s32 $0x1B8E;
	s24 =	sld [smem:$0x3FFE];
	[sflag:s23] =	ssyncadd.s32 $0xFFFFFFFF  }
0xa7: {  	s26 =	simm.s32 $execute0_lowered;
	[smem:$0x3FD2] =	sst s25  }
0xa8: {  	s7 =	sshll.u32 s26, $0x1;
	_ =	strace $0x80000046;
	[dreg:$0x1] =	wrdreg $0xFFFFFFFF  }
0xa9: {  	s28 =	simm.s32 $_size_execute0_lowered;
	s5 =	sadd.s32 s5, s7;
	[dreg:$0x0] =	wrdreg $0x0  }
0xaa: {  	s7 =	sshll.u32 s28, $0x1;
	[dreg:$0x2] =	wrdreg s5  }
0xab: {  	[dreg:$0x3] =	wrdreg s7  }
0xac: {  	[dreg:$0x4] =	wrdreg $0xC0  }
0xad: {  	_ =	task [dreg:s9], $0x5FFFF  }
0xae: {  	[dreg:$0x1] =	wrdreg $0xFFFFFFFF  }
0xaf: {  	[dreg:$0x0] =	wrdreg $0x60  }
0xb0: {  	[dreg:$0x2] =	wrdreg s18  }
0xb1: {  	[dreg:$0x3] =	wrdreg s2  }
0xb2: {  	[dreg:$0x4] =	wrdreg s24  }
0xb3: {  	[dreg:$0x5] =	wrdreg s4  }
0xb4: {  	[dreg:$0x6] =	wrdreg $0x9  }
0xb5: {  	_ =	task.clear_ibuf [dreg:s9], $0x7FFFF;
	_ =	strace $0x90000046  }
0xb6: {  	s29 =	simm.s32 $0x9;
	_ =	strace $0x80000048  }
0xb7: {  	_ =	swait.ge [sflag:s29], $0x1  }
0xb8: {  	[sflag:s29] =	ssyncadd.s32 $0xFFFFFFFF  }
0xb9: {  	_ =	strace $0x90000048  }
0xba: {  	_ =	sfence  }
0xbb: {  	s30 =	sld [smem:$0x0];
	_ =	sdelay $0x2  }
0xbc: {  	s31 =	sshll.u32 s1, $0xD;
	s1 =	sshrl.u32 s1, $0x2  }
0xbd: {  	s3 =	sand.u32 $0x4000, s31;
	s1 =	sadd.s32 s1, s30  }
0xbe: {  	s0 =	sor.u32 s3, s0;
	s1 =	sshll.u32 s1, $0x11  }
0xbf: {  	s0 =	sor.u32 s1, s0  }
0xc0: {  	s0 =	sadd.s32 $0x8F2B, s0  }
0xc1: {  	[sflag:s0] =	ssyncadd.remote.s32 $0x1  }
0xc2: {  	_ =	sfence.sel $0xFFFF  }
0xc3: {  	[dreg:$0x0] =	wrdreg $0xFFFFFFFF;
	(pc) =	sbr.abs _section_cstart, $3  }
0xc4: {  	[dreg:$0x1] =	wrdreg $0xFFFFFFFF  }
0xc5: {  	_ =	task.clear_ibuf [dreg:s9], $0x2FFFF;
	_ =	strace $0x9FFFFFFF  }
0xc6: {  	(tm) =	ssettm $0x7FFFFFFF  }
0xc7: {  	_ =	shalt  }
tec
execute0_lowered:
.L_overlay_start_1:
0x0: {  	(tag) =	ssettag $0x1  }
0x1: {  	s5 =	rddreg [dreg:$0x0]  }
0x2: {  	s2 =	rddreg [dreg:$0x1]  }
0x3: {  	s4 =	rddreg [dreg:$0x2];
	s3 =	srdreg.scid  }
0x4: {  	s17 =	rddreg [dreg:$0x3];
	s1 =	stileid.u32;
	s16 =	sand.u32 $0x1, s3  }
0x5: {  	s3 =	simm.s32 $0x0;
	s6 =	sshll.u32 s1, $0x7;
	s7 =	sshll.u32 s16, $0x6  }
0x6: {  	[smem:$0x7FF] =	sst s3;
	s18 =	sor.u32 s7, s6  }
0x7: {  	s0 =	rddreg [dreg:$0x4];
	_ =	strace $0x80000047;
	s8 =	sadd.s32 s2, s18  }
0x8: {  	[tilespmem:s3], [sflag:$0x2] =	stream.linear.gather [hbm4b:s8+s3], $0x200, $0x38;
	[tilespmem:$0x480] =	vst v63  }
0x9: {  	s10 =	simm.s32 $0x400;
	s9 =	sadd.s32 $0x400, s4;
	s2 =	simm.s32 $0x2  }
0xa: {  	[tilespmem:s10], [sflag:$0x2] =	stream.linear.gather [hbm4b:s9+s3], $0x80, $0x38;
	[tilespmem:$0x480] =	vst v63  }
0xb: {  	_ =	swait.ge [sflag:s2], $0x200  }
0xc: {  	[sflag:s2] =	ssyncset.done $0x0  }
0xd: {  	s11 =	simm.s32 $0x80;
	s12 =	simm.s32 $0x200;
	[sflag:s2] =	ssyncadd.s32 $0xFFFFFE00  }
0xe: {  	[tilespmem:s12], [sflag:$0x1] =	stream.indirect.gather [hbm4b:s5+s11], $0x1, s3, s11, $0xb8;
	[tilespmem:$0x480] =	vst v63  }
0xf: {  	s13 =	simm.s32 $0x280  }
0x10: {  	[tilespmem:s13], [sflag:$0x1] =	stream.indirect.gather [hbm4b:s5+s11], $0x1, s11, s11, $0xb8;
	[tilespmem:$0x480] =	vst v63  }
0x11: {  	s14 =	simm.s32 $0x100;
	s6 =	simm.s32 $0x300  }
0x12: {  	[tilespmem:s6], [sflag:$0x1] =	stream.indirect.gather [hbm4b:s5+s11], $0x1, s14, s11, $0xb8;
	[tilespmem:$0x480] =	vst v63  }
0x13: {  	s15 =	simm.s32 $0x180;
	s4 =	simm.s32 $0x380  }
0x14: {  	[tilespmem:s4], [sflag:$0x1] =	stream.indirect.gather [hbm4b:s5+s11], $0x1, s15, s11, $0xb8;
	[tilespmem:$0x480] =	vst v63  }
0x15: {  	_ =	swait.ge [sflag:s2], $0x80  }
0x16: {  	[sflag:s2] =	ssyncset.done $0x0  }
0x17: {  	s7 =	simm.s32 $0x1;
	[sflag:s2] =	ssyncadd.s32 $0xFFFFFF80  }
0x18: {  	v0 =	vld [tilespmem:$0x400];
	_ =	swait.ge [sflag:s7], $0x80  }
0x19: {  	[sflag:s7] =	ssyncset.done $0x0  }
0x1a: {  	[sflag:s7] =	ssyncadd.s32 $0xFFFFFF80  }
0x1b: {  	v1 =	vld [tilespmem:$0x220]  }
0x1c: {  	v2 =	vld [tilespmem:$0x270]  }
0x1d: {  	v3 =	vld [tilespmem:$0x230]  }
0x1e: {  	v4 =	vld [tilespmem:$0x210]  }
0x1f: {  	v5 =	vld [tilespmem:$0x200]  }
0x20: {  	v8 =	vld [tilespmem:$0x260];
	v1 =	vadd.f32 v1, v0  }
0x21: {  	v6 =	vld [tilespmem:$0x240];
	v2 =	vadd.f32 v2, v0  }
0x22: {  	v7 =	vld [tilespmem:$0x250];
	v3 =	vadd.f32 v3, v0;
	[tilespmem:$0x220] =	vst v1  }
0x23: {  	v1 =	vadd.f32 v4, v0;
	[tilespmem:$0x270] =	vst v2  }
0x24: {  	v2 =	vadd.f32 v5, v0;
	[tilespmem:$0x230] =	vst v3  }
0x25: {  	v3 =	vadd.f32 v8, v0;
	[tilespmem:$0x210] =	vst v1  }
0x26: {  	v1 =	vadd.f32 v6, v0;
	[tilespmem:$0x200] =	vst v2  }
0x27: {  	v2 =	vadd.f32 v7, v0;
	[tilespmem:$0x260] =	vst v3  }
0x28: {  	[tilespmem:$0x240] =	vst v1  }
0x29: {  	s17 =	sadd.s32 s17, s18;
	[tilespmem:$0x250] =	vst v2  }
0x2a: {  	[hbm4b:s17+s3] =	stream.linear.scatter [tilespmem:s12], [sflag:$0x2], $0x80, $0x38;
	[tilespmem:$0x480] =	vst v63  }
0x2b: {  	_ =	swait.ge [sflag:s7], $0x80  }
0x2c: {  	[sflag:s7] =	ssyncset.done $0x0  }
0x2d: {  	[sflag:s7] =	ssyncadd.s32 $0xFFFFFF80  }
0x2e: {  	v1 =	vld [tilespmem:$0x2F0]  }
0x2f: {  	v2 =	vld [tilespmem:$0x2B0]  }
0x30: {  	v3 =	vld [tilespmem:$0x2E0]  }
0x31: {  	v59 =	vld [tilespmem:$0x280]  }
0x32: {  	v60 =	vld [tilespmem:$0x2C0]  }
0x33: {  	v61 =	vld [tilespmem:$0x2A0];
	v1 =	vadd.f32 v1, v0  }
0x34: {  	v62 =	vld [tilespmem:$0x290];
	v2 =	vadd.f32 v2, v0  }
0x35: {  	v63 =	vld [tilespmem:$0x2D0];
	v3 =	vadd.f32 v3, v0;
	[tilespmem:$0x2F0] =	vst v1  }
0x36: {  	v1 =	vadd.f32 v59, v0;
	[tilespmem:$0x2B0] =	vst v2  }
0x37: {  	v2 =	vadd.f32 v60, v0;
	[tilespmem:$0x2E0] =	vst v3  }
0x38: {  	s16 =	ssub.s32 $0x2, s16;
	[tilespmem:$0x280] =	vst v1;
	v1 =	vadd.f32 v61, v0  }
0x39: {  	s31 =	sshrl.u32 s16, $0x1;
	v3 =	vadd.f32 v62, v0;
	[tilespmem:$0x2C0] =	vst v2  }
0x3a: {  	s16 =	ssub.s32 s16, s31;
	[tilespmem:$0x2A0] =	vst v1;
	v1 =	vadd.f32 v63, v0  }
0x3b: {  	s20 =	smax.u32 s16, $0x1;
	[tilespmem:$0x290] =	vst v3  }
0x3c: {  	s19 =	sadd.s32 $0x10, s17;
	p0 =	sne.s32 s20, $0x1;
	[tilespmem:$0x2D0] =	vst v1  }
0x3d: {  	[hbm4b:s19+s3] =	stream.linear.scatter [tilespmem:s13], [sflag:$0x2], $0x80, $0x38;
	[tilespmem:$0x480] =	vst v63  }
.Ltmp0:
0x3e: {  	_ = 	snop;
	(pc) =	sbr.rel @!p0 .LBB2_2-.Ltmp0, $4  }
0x3f: {  	_ =	swait.ge [sflag:s7], $0x80  }
0x40: {  	[sflag:s7] =	ssyncset.done $0x0  }
0x41: {  	[sflag:s7] =	ssyncadd.s32 $0xFFFFFF80  }
0x42: {  	s18 =	sadd.s32 $0x20, s17;
	s16 =	sadd.s32 $0x30, s17;
	s20 =	sadd.s32 $0xFFFFFFFF, s20;
	v1 =	vld [tilespmem:$0x300]  }
.LBB2_1:
0x43: {  	p0 =	sne.s32 s20, $0x1;
	s20 =	sadd.s32 $0xFFFFFFFF, s20;
	v2 =	vld [tilespmem:$0x350]  }
0x44: {  	v3 =	vld [tilespmem:$0x370]  }
0x45: {  	v4 =	vld [tilespmem:$0x330]  }
0x46: {  	v5 =	vld [tilespmem:$0x340]  }
0x47: {  	v1 =	vadd.f32 v1, v0;
	v6 =	vld [tilespmem:$0x360]  }
0x48: {  	v7 =	vld [tilespmem:$0x310];
	v2 =	vadd.f32 v2, v0  }
0x49: {  	[tilespmem:$0x300] =	vst v1;
	v1 =	vadd.f32 v3, v0  }
0x4a: {  	v3 =	vld [tilespmem:$0x320];
	v4 =	vadd.f32 v4, v0;
	[tilespmem:$0x350] =	vst v2  }
0x4b: {  	v2 =	vadd.f32 v5, v0;
	[tilespmem:$0x370] =	vst v1  }
0x4c: {  	[tilespmem:$0x330] =	vst v4;
	v1 =	vadd.f32 v6, v0  }
0x4d: {  	v4 =	vadd.f32 v7, v0;
	[tilespmem:$0x340] =	vst v2  }
0x4e: {  	[tilespmem:$0x360] =	vst v1  }
0x4f: {  	[tilespmem:$0x310] =	vst v4;
	v1 =	vadd.f32 v3, v0;
	_ =	sdelay $0x1  }
0x50: {  	[tilespmem:$0x320] =	vst v1  }
0x51: {  	[hbm4b:s18+s3] =	stream.linear.scatter [tilespmem:s6], [sflag:$0x2], $0x80, $0x38;
	[tilespmem:$0x480] =	vst v63  }
0x52: {  	_ =	swait.ge [sflag:s7], $0x80  }
0x53: {  	[sflag:s7] =	ssyncset.done $0x0  }
0x54: {  	[sflag:s7] =	ssyncadd.s32 $0xFFFFFF80  }
0x55: {  	v1 =	vld [tilespmem:$0x380]  }
0x56: {  	v2 =	vld [tilespmem:$0x390]  }
0x57: {  	v3 =	vld [tilespmem:$0x3A0]  }
0x58: {  	v4 =	vld [tilespmem:$0x3B0]  }
0x59: {  	v5 =	vld [tilespmem:$0x3D0]  }
0x5a: {  	v1 =	vadd.f32 v1, v0;
	v6 =	vld [tilespmem:$0x3E0]  }
0x5b: {  	v2 =	vadd.f32 v2, v0;
	v7 =	vld [tilespmem:$0x3F0]  }
0x5c: {  	[tilespmem:$0x380] =	vst v1;
	v1 =	vadd.f32 v3, v0;
	v3 =	vld [tilespmem:$0x3C0]  }
0x5d: {  	[tilespmem:$0x390] =	vst v2;
	v2 =	vadd.f32 v4, v0  }
0x5e: {  	[tilespmem:$0x3A0] =	vst v1;
	v1 =	vadd.f32 v5, v0  }
0x5f: {  	[tilespmem:$0x3B0] =	vst v2;
	v2 =	vadd.f32 v6, v0  }
0x60: {  	[tilespmem:$0x3D0] =	vst v1;
	v1 =	vadd.f32 v7, v0  }
0x61: {  	v0 =	vadd.f32 v3, v0;
	[tilespmem:$0x3E0] =	vst v2  }
0x62: {  	[tilespmem:$0x3F0] =	vst v1  }
0x63: {  	[tilespmem:$0x3C0] =	vst v0  }
0x64: {  	[hbm4b:s16+s3] =	stream.linear.scatter [tilespmem:s4], [sflag:$0x2], $0x80, $0x38;
	[tilespmem:$0x480] =	vst v63  }
0x65: {  	_ =	swait.ge [sflag:s2], $0x80  }
0x66: {  	[sflag:s2] =	ssyncset.done $0x0  }
0x67: {  	[sflag:s2] =	ssyncadd.s32 $0xFFFFFF80  }
0x68: {  	_ =	swait.ge [sflag:s2], $0x80  }
0x69: {  	[sflag:s2] =	ssyncset.done $0x0  }
0x6a: {  	[sflag:s2] =	ssyncadd.s32 $0xFFFFFF80  }
0x6b: {  	_ =	swait.ge [sflag:s2], $0x80  }
0x6c: {  	[sflag:s2] =	ssyncset.done $0x0  }
0x6d: {  	[sflag:s2] =	ssyncadd.s32 $0xFFFFFF80  }
0x6e: {  	_ =	swait.ge [sflag:s2], $0x80  }
0x6f: {  	[sflag:s2] =	ssyncset.done $0x0  }
0x70: {  	[sflag:s2] =	ssyncadd.s32 $0xFFFFFF80  }
0x71: {  	[tilespmem:s3], [sflag:$0x2] =	stream.linear.gather [hbm4b:s8+s3], $0x200, $0x38;
	[tilespmem:$0x480] =	vst v63  }
0x72: {  	_ = 	snop  }
0x73: {  	[tilespmem:s10], [sflag:$0x2] =	stream.linear.gather [hbm4b:s9+s3], $0x80, $0x38;
	[tilespmem:$0x480] =	vst v63  }
0x74: {  	_ =	swait.ge [sflag:s2], $0x200  }
0x75: {  	[sflag:s2] =	ssyncset.done $0x0  }
0x76: {  	[sflag:s2] =	ssyncadd.s32 $0xFFFFFE00  }
0x77: {  	[tilespmem:s12], [sflag:$0x1] =	stream.indirect.gather [hbm4b:s5+s11], $0x1, s3, s11, $0xb8;
	[tilespmem:$0x480] =	vst v63  }
0x78: {  	_ = 	snop  }
0x79: {  	[tilespmem:s13], [sflag:$0x1] =	stream.indirect.gather [hbm4b:s5+s11], $0x1, s11, s11, $0xb8;
	[tilespmem:$0x480] =	vst v63  }
0x7a: {  	_ = 	snop  }
0x7b: {  	[tilespmem:s6], [sflag:$0x1] =	stream.indirect.gather [hbm4b:s5+s11], $0x1, s14, s11, $0xb8;
	[tilespmem:$0x480] =	vst v63  }
0x7c: {  	_ = 	snop  }
0x7d: {  	[tilespmem:s4], [sflag:$0x1] =	stream.indirect.gather [hbm4b:s5+s11], $0x1, s15, s11, $0xb8;
	[tilespmem:$0x480] =	vst v63  }
0x7e: {  	_ =	swait.ge [sflag:s2], $0x80  }
0x7f: {  	[sflag:s2] =	ssyncset.done $0x0  }
0x80: {  	[sflag:s2] =	ssyncadd.s32 $0xFFFFFF80  }
0x81: {  	v0 =	vld [tilespmem:$0x400]  }
0x82: {  	_ =	swait.ge [sflag:s7], $0x80  }
0x83: {  	[sflag:s7] =	ssyncset.done $0x0  }
0x84: {  	[sflag:s7] =	ssyncadd.s32 $0xFFFFFF80  }
0x85: {  	v1 =	vld [tilespmem:$0x270]  }
0x86: {  	v2 =	vld [tilespmem:$0x220]  }
0x87: {  	v3 =	vld [tilespmem:$0x230]  }
0x88: {  	v4 =	vld [tilespmem:$0x260]  }
0x89: {  	v5 =	vld [tilespmem:$0x210]  }
0x8a: {  	v6 =	vld [tilespmem:$0x200]  }
0x8b: {  	v1 =	vadd.f32 v1, v0;
	v2 =	vadd.f32 v2, v0;
	v7 =	vld [tilespmem:$0x240]  }
0x8c: {  	v3 =	vadd.f32 v3, v0;
	v8 =	vld [tilespmem:$0x250]  }
0x8d: {  	[tilespmem:$0x220] =	vst v2;
	v2 =	vadd.f32 v4, v0  }
0x8e: {  	v4 =	vadd.f32 v5, v0;
	[tilespmem:$0x270] =	vst v1  }
0x8f: {  	v1 =	vadd.f32 v6, v0;
	[tilespmem:$0x230] =	vst v3  }
0x90: {  	[tilespmem:$0x210] =	vst v4;
	v3 =	vadd.f32 v7, v0  }
0x91: {  	[tilespmem:$0x200] =	vst v1;
	v1 =	vadd.f32 v8, v0  }
0x92: {  	[tilespmem:$0x240] =	vst v3  }
0x93: {  	[tilespmem:$0x250] =	vst v1  }
0x94: {  	[tilespmem:$0x260] =	vst v2  }
0x95: {  	[hbm4b:s17+s3] =	stream.linear.scatter [tilespmem:s12], [sflag:$0x2], $0x80, $0x38;
	[tilespmem:$0x480] =	vst v63  }
0x96: {  	_ =	swait.ge [sflag:s7], $0x80  }
0x97: {  	[sflag:s7] =	ssyncset.done $0x0  }
0x98: {  	[sflag:s7] =	ssyncadd.s32 $0xFFFFFF80  }
0x99: {  	v1 =	vld [tilespmem:$0x2F0]  }
0x9a: {  	v2 =	vld [tilespmem:$0x2B0]  }
0x9b: {  	v3 =	vld [tilespmem:$0x2E0]  }
0x9c: {  	v4 =	vld [tilespmem:$0x280]  }
0x9d: {  	v5 =	vld [tilespmem:$0x2C0]  }
0x9e: {  	v6 =	vld [tilespmem:$0x2A0];
	v1 =	vadd.f32 v1, v0  }
0x9f: {  	v7 =	vld [tilespmem:$0x290];
	v2 =	vadd.f32 v2, v0  }
0xa0: {  	v8 =	vld [tilespmem:$0x2D0];
	v3 =	vadd.f32 v3, v0;
	[tilespmem:$0x2F0] =	vst v1  }
0xa1: {  	v1 =	vadd.f32 v4, v0;
	[tilespmem:$0x2B0] =	vst v2  }
0xa2: {  	v2 =	vadd.f32 v5, v0;
	[tilespmem:$0x2E0] =	vst v3  }
0xa3: {  	[tilespmem:$0x280] =	vst v1;
	v1 =	vadd.f32 v6, v0  }
0xa4: {  	v3 =	vadd.f32 v7, v0;
	[tilespmem:$0x2C0] =	vst v2  }
0xa5: {  	[tilespmem:$0x2A0] =	vst v1;
	v1 =	vadd.f32 v8, v0  }
0xa6: {  	[tilespmem:$0x290] =	vst v3  }
0xa7: {  	[tilespmem:$0x2D0] =	vst v1  }
0xa8: {  	[hbm4b:s19+s3] =	stream.linear.scatter [tilespmem:s13], [sflag:$0x2], $0x80, $0x38;
	[tilespmem:$0x480] =	vst v63  }
.Ltmp1:
0xa9: {  	_ = 	snop;
	(pc) =	sbr.rel @p0 .LBB2_1-.Ltmp1, $4  }
0xaa: {  	_ =	swait.ge [sflag:s7], $0x80  }
0xab: {  	[sflag:s7] =	ssyncset.done $0x0  }
0xac: {  	[sflag:s7] =	ssyncadd.s32 $0xFFFFFF80  }
0xad: {  	v1 =	vld [tilespmem:$0x300]  }
.LBB2_2:
0xae: {  	v2 =	vld [tilespmem:$0x350]  }
0xaf: {  	v3 =	vld [tilespmem:$0x370]  }
0xb0: {  	v4 =	vld [tilespmem:$0x330]  }
0xb1: {  	v5 =	vld [tilespmem:$0x340]  }
0xb2: {  	v6 =	vld [tilespmem:$0x360];
	v1 =	vadd.f32 v1, v0  }
0xb3: {  	v7 =	vld [tilespmem:$0x310];
	v2 =	vadd.f32 v2, v0  }
0xb4: {  	v45 =	vld [tilespmem:$0x320];
	v44 =	vadd.f32 v3, v0;
	[tilespmem:$0x300] =	vst v1  }
0xb5: {  	v4 =	vadd.f32 v4, v0;
	[tilespmem:$0x350] =	vst v2  }
0xb6: {  	v46 =	vadd.f32 v5, v0;
	[tilespmem:$0x370] =	vst v44  }
0xb7: {  	v47 =	vadd.f32 v6, v0;
	[tilespmem:$0x330] =	vst v4  }
0xb8: {  	v48 =	vadd.f32 v7, v0;
	[tilespmem:$0x340] =	vst v46  }
0xb9: {  	v49 =	vadd.f32 v45, v0;
	[tilespmem:$0x360] =	vst v47  }
0xba: {  	[tilespmem:$0x310] =	vst v48  }
0xbb: {  	[tilespmem:$0x320] =	vst v49  }
0xbc: {  	[hbm4b:s18+s3] =	stream.linear.scatter [tilespmem:s6], [sflag:$0x2], $0x80, $0x38;
	[tilespmem:$0x480] =	vst v63  }
0xbd: {  	_ =	swait.ge [sflag:s7], $0x80  }
0xbe: {  	[sflag:s7] =	ssyncset.done $0x0  }
0xbf: {  	[sflag:s7] =	ssyncadd.s32 $0xFFFFFF80  }
0xc0: {  	v50 =	vld [tilespmem:$0x380]  }
0xc1: {  	v51 =	vld [tilespmem:$0x390]  }
0xc2: {  	v52 =	vld [tilespmem:$0x3A0]  }
0xc3: {  	v53 =	vld [tilespmem:$0x3B0]  }
0xc4: {  	v54 =	vld [tilespmem:$0x3D0]  }
0xc5: {  	v55 =	vld [tilespmem:$0x3E0];
	v1 =	vadd.f32 v50, v0  }
0xc6: {  	v56 =	vld [tilespmem:$0x3F0];
	v2 =	vadd.f32 v51, v0  }
0xc7: {  	v58 =	vld [tilespmem:$0x3C0];
	v57 =	vadd.f32 v52, v0;
	[tilespmem:$0x380] =	vst v1  }
0xc8: {  	v59 =	vadd.f32 v53, v0;
	[tilespmem:$0x390] =	vst v2  }
0xc9: {  	v60 =	vadd.f32 v54, v0;
	[tilespmem:$0x3A0] =	vst v57  }
0xca: {  	v61 =	vadd.f32 v55, v0;
	[tilespmem:$0x3B0] =	vst v59  }
0xcb: {  	v62 =	vadd.f32 v56, v0;
	[tilespmem:$0x3D0] =	vst v60  }
0xcc: {  	v63 =	vadd.f32 v58, v0;
	[tilespmem:$0x3E0] =	vst v61  }
0xcd: {  	[tilespmem:$0x3F0] =	vst v62  }
0xce: {  	[tilespmem:$0x3C0] =	vst v63  }
0xcf: {  	[hbm4b:s16+s3] =	stream.linear.scatter [tilespmem:s4], [sflag:$0x2], $0x80, $0x38;
	[tilespmem:$0x480] =	vst v63  }
0xd0: {  	_ =	swait.ge [sflag:s2], $0x80  }
0xd1: {  	[sflag:s2] =	ssyncset.done $0x0  }
0xd2: {  	[sflag:s2] =	ssyncadd.s32 $0xFFFFFF80  }
0xd3: {  	_ =	swait.ge [sflag:s2], $0x80  }
0xd4: {  	[sflag:s2] =	ssyncset.done $0x0  }
0xd5: {  	[sflag:s2] =	ssyncadd.s32 $0xFFFFFF80  }
0xd6: {  	_ =	swait.ge [sflag:s2], $0x80  }
0xd7: {  	[sflag:s2] =	ssyncset.done $0x0  }
0xd8: {  	[sflag:s2] =	ssyncadd.s32 $0xFFFFFF80  }
0xd9: {  	_ =	swait.ge [sflag:s2], $0x80  }
0xda: {  	[sflag:s2] =	ssyncset.done $0x0  }
0xdb: {  	[sflag:s2] =	ssyncadd.s32 $0xFFFFFF80  }
0xdc: {  	_ =	sfence.sel $0x180000  }
0xdd: {  	[bflag:$0x0] =	sbarrier.arrive $0xFFFF  }
0xde: {  	p0 =	sne.s32 s1, $0x0;
	_ =	strace $0x90000047  }
0xdf: {  	s0 =	sadd.s32 @!p0 $0x100000, s0;
	[bflag:$0x2] =	sbarrier.arrive $0xFFFF  }
0xe0: {  	[sflag:s0] =	ssyncadd.tile.s32 @!p0 $0x1;
	_ =	shalt  }
.Lfunc_end2:
_tile_overlayer_lowered:
.L_overlay_start_2:
0xe1: {  	(tag) =	ssettag $0x2  }
0xe2: {  	s0 =	rddreg [dreg:$0x0];
	s2 =	stileid.u32  }
0xe3: {  	s1 =	rddreg [dreg:$0x1];
	p0 =	sne.s32 s2, $0x0  }
0xe4: {  	s3 =	rddreg [dreg:$0x2];
	[bflag:$0x3] =	sbarrier.arrive $0xFFFF;
	s2 =	simm.s32 @!p0 $0x1C03  }
0xe5: {  	[timem:s3], [sflag:s2] =	dma.local @!p0 [hbm:s0], s1  }
0xe6: {  	s0 =	simm.s32 @!p0 $0x3  }
0xe7: {  	_ =	swait.ge @!p0 [sflag:s0], s1  }
0xe8: {  	s1 =	ssub.s32 @!p0 $0x0, s1;
	[sflag:s0] =	ssyncset.done @!p0 $0x0  }
0xe9: {  	[sflag:s0] =	ssyncadd.s32 @!p0 s1  }
0xea: {  	[bflag:$0x3] =	sbarrier.arrive $0xFFFF  }
0xeb: {  	_ =	shalt  }

</sc_bundles>
